<compile_context>
chip_gen: v7x
topology: tpu7x:2x2x1
jax: 0.10.2.dev20260603
libtpu: 0.0.44.dev20260713+nightly
codegen_flags: <defaults>
</compile_context>

<pallas_src>
import functools

import jax
import jax.numpy as jnp
from jax import lax
from jax.experimental import pallas as pl
from jax.experimental.pallas import tpu as pltpu
from jax.experimental.pallas import tpu_sc as plsc

N = 50000
C = 10
E = 3200000
EPS = 1e-15

N_PAD = 51200
BN = 51200
BE = 8192
CHUNKS = 3
CH = 1066672
NFULL = 130
NB16 = BE // 16


def _edge_pass(xn_t, packed):
    mesh = plsc.VectorSubcoreMesh(core_axis_name="c", subcore_axis_name="s")

    @functools.partial(
        pl.kernel,
        out_type=jax.ShapeDtypeStruct((C, CHUNKS, N_PAD), jnp.float32),
        mesh=mesh,
        compiler_params=pltpu.CompilerParams(needs_layout_passes=False),
        scratch_types=[
            pltpu.VMEM((N_PAD,), jnp.float32),
            pltpu.VMEM((N_PAD,), jnp.float32),
            pltpu.VMEM((BE,), jnp.int32),
            pltpu.VMEM((BE,), jnp.int32),
            pltpu.SemaphoreType.DMA,
            pltpu.SemaphoreType.DMA,
        ],
    )
    def k(xn_hbm, pk_hbm, out_hbm, table_v, acc_v, pb0, pb1, sem0, sem1):
        w = lax.axis_index("s") * 2 + lax.axis_index("c")

        @pl.when(w < C * CHUNKS)
        def _():
            cls = w // CHUNKS
            chunk = w % CHUNKS
            start = chunk * CH
            cnt = jnp.minimum(CH, E - start)
            tail16 = (cnt - NFULL * BE) // 16

            pbufs, sems = (pb0, pb1), (sem0, sem1)

            tcopy = pltpu.make_async_copy(xn_hbm.at[cls], table_v, sem0)
            tcopy.start()

            @plsc.parallel_loop(0, N_PAD // 16, unroll=4)
            def _(i):
                acc_v[pl.ds(i * 16, 16)] = jnp.zeros((16,), jnp.float32)

            tcopy.wait()

            def start_blk(b, slot):
                off = start + jnp.minimum(b * BE, cnt - BE)
                pltpu.async_copy(pk_hbm.at[pl.ds(off, BE)], pbufs[slot],
                                 sems[slot])

            def wait_blk(slot):
                pltpu.make_async_copy(pk_hbm.at[pl.ds(0, BE)], pbufs[slot],
                                      sems[slot]).wait()

            def group16(pb, i):
                p = pb[pl.ds(i * 16, 16)]
                s = jnp.bitwise_and(p, 0xFFFF)
                d = jnp.bitwise_and(jnp.right_shift(p, 16), 0xFFFF)
                vals = plsc.load_gather(table_v, [s])
                plsc.addupdate_scatter(acc_v, [d], vals)

            start_blk(0, 0)
            start_blk(1, 1)

            def pair(g, _):
                for slot in (0, 1):
                    b = 2 * g + slot
                    wait_blk(slot)

                    @pl.when(b + 2 <= NFULL)
                    def _():
                        start_blk(b + 2, slot)

                    @plsc.parallel_loop(0, NB16, unroll=16)
                    def _(i):
                        group16(pbufs[slot], i)
                return 0

            lax.fori_loop(0, NFULL // 2, pair, 0)

            wait_blk(0)

            @plsc.parallel_loop(NB16 - tail16, NB16, unroll=2)
            def _(i):
                group16(pb0, i)

            pltpu.sync_copy(acc_v, out_hbm.at[cls, chunk])

    return k(xn_t, packed)


PK_R = 25
PK_W = E // PK_R
PK_BW = PK_W // 5


def _pack_edges(edge_index):
    ei = edge_index.reshape(2, PK_R, PK_W)

    def body(e_ref, o_ref):
        o_ref[...] = jnp.bitwise_or(e_ref[0], jnp.left_shift(e_ref[1], 16))

    packed = pl.pallas_call(
        body,
        grid=(PK_W // PK_BW,),
        in_specs=[pl.BlockSpec((2, PK_R, PK_BW), lambda i: (0, 0, i))],
        out_specs=pl.BlockSpec((PK_R, PK_BW), lambda i: (0, i)),
        out_shape=jax.ShapeDtypeStruct((PK_R, PK_W), jnp.int32),
    )(ei)
    return packed.reshape(E)


def _tc_pre(x_t):

    def body(x_ref, o_ref):
        xb = x_ref[...]
        s = jnp.sum(xb * xb, axis=0, keepdims=True)
        o_ref[...] = xb * (1.0 / (jnp.sqrt(s) + EPS))

    return pl.pallas_call(
        body,
        grid=(1,),
        in_specs=[pl.BlockSpec((C, N_PAD), lambda i: (0, 0))],
        out_specs=pl.BlockSpec((C, N_PAD), lambda i: (0, 0)),
        out_shape=jax.ShapeDtypeStruct((C, N_PAD), jnp.float32),
    )(x_t)


def _sum_parts(p):
    return p[:, 0, :] + p[:, 1, :] + p[:, 2, :]


def _tc_mid(parts, W):

    def body(p_ref, w_ref, o_ref):
        agg = _sum_parts(p_ref[...])
        y = lax.dot_general(w_ref[...], agg, (((0,), (0,)), ((), ())),
                            preferred_element_type=jnp.float32)
        y = jnp.maximum(y, 0.0)
        s = jnp.sum(y * y, axis=0, keepdims=True)
        o_ref[...] = y * (1.0 / (jnp.sqrt(s) + EPS))

    return pl.pallas_call(
        body,
        grid=(N_PAD // BN,),
        in_specs=[
            pl.BlockSpec((C, CHUNKS, BN), lambda i: (0, 0, i)),
            pl.BlockSpec((C, C), lambda i: (0, 0)),
        ],
        out_specs=pl.BlockSpec((C, BN), lambda i: (0, i)),
        out_shape=jax.ShapeDtypeStruct((C, N_PAD), jnp.float32),
    )(parts, W)


def _tc_post(parts, W):

    def body(p_ref, w_ref, o_ref):
        agg = _sum_parts(p_ref[...])
        y = lax.dot_general(w_ref[...], agg, (((0,), (0,)), ((), ())),
                            preferred_element_type=jnp.float32)
        y = jnp.maximum(y, 0.0)
        m = jnp.max(y, axis=0, keepdims=True)
        e = jnp.exp(y - m)
        o_ref[...] = e / jnp.sum(e, axis=0, keepdims=True)

    return pl.pallas_call(
        body,
        grid=(1,),
        in_specs=[
            pl.BlockSpec((C, CHUNKS, N_PAD), lambda i: (0, 0, 0)),
            pl.BlockSpec((C, C), lambda i: (0, 0)),
        ],
        out_specs=pl.BlockSpec((C, N_PAD), lambda i: (0, 0)),
        out_shape=jax.ShapeDtypeStruct((C, N_PAD), jnp.float32),
    )(parts, W)


def kernel(x, edge_index, W1, W2):
    packed = jnp.bitwise_or(edge_index[0], jnp.left_shift(edge_index[1], 16))
    x_t = jnp.pad(x.T, ((0, 0), (0, N_PAD - N)))

    xn1 = _tc_pre(x_t)
    parts1 = _edge_pass(xn1, packed)
    xn2 = _tc_mid(parts1, W1)
    parts2 = _edge_pass(xn2, packed)
    out_t = _tc_post(parts2, W2)
    return out_t[:, :N].T

# --- scband reference (transcript-rebuilt; emitter-appended) ---
"""Pipeline reference for scband-general-lpmodel-85856396248060 (READ-ONLY COPY).

The authoritative reference and input builder live on the scoring server;
editing this copy changes nothing except your own understanding.
"""

import jax, jax.numpy as jnp
import numpy as np

N_NODES = 50000
N_EDGES = 3200000
NUM_CLASSES = 10
NUM_ITER = 2
WEIGHT_SCALE = 1.0


def _make_weight():
    # ones((C,C)) * -1 with diagonal set to 1, times weight_scale
    W = jnp.where(jnp.eye(NUM_CLASSES, dtype=bool), 1.0, -1.0).astype(jnp.float32)
    return W * WEIGHT_SCALE


def setup_inputs(seed: int = 0) -> dict:
    key = jax.random.key(seed)
    k1, k2 = jax.random.split(key, 2)
    x = jax.random.uniform(k1, (N_NODES, NUM_CLASSES), dtype=jnp.float32)
    edge_index = jax.random.randint(k2, (2, N_EDGES), 0, N_NODES, dtype=jnp.int32)
    W1 = _make_weight()
    W2 = _make_weight()
    return {"x": x, "edge_index": edge_index, "W1": W1, "W2": W2}


def reference(x, edge_index, W1, W2):
    epsilon = 1e-15
    src = edge_index[0]
    dst = edge_index[1]
    for W in (W1, W2):
        # x = x / (x.norm(dim=1, keepdim=True).detach() + eps)
        norm = jnp.linalg.norm(x, axis=1, keepdims=True)
        norm = jax.lax.stop_gradient(norm)
        x = x / (norm + epsilon)
        # propagate with aggr='add': gather source features, scatter-add at dst
        msgs = jnp.take(x, src, axis=0)
        agg = jax.ops.segment_sum(msgs, dst, num_segments=N_NODES)
        # out = out @ weights (no bias in this config)
        x = agg @ W
        x = jax.nn.relu(x)
    return jax.nn.softmax(x, axis=1)

if __name__ == "__main__":
    import jax
    _d = setup_inputs()
    print(jax.jit(kernel)(*tuple(_d.values())))

</pallas_src>

<mosaic_0001>
#map = affine_map<(d0, d1) -> (0, 0)>
#map1 = affine_map<(d0, d1) -> (0)>
#map2 = affine_map<(d0, d1) -> (0, 0, 0)>
module attributes {stable_mosaic.version = 14 : i64} {
  func.func @k(%arg0: i32, %arg1: i32, %arg2: memref<10x51200xf32, #tpu.memory_space<hbm>>, %arg3: memref<3200000xi32, #tpu.memory_space<hbm>>, %arg4: memref<10x3x51200xf32, #tpu.memory_space<hbm>>, %arg5: memref<51200xf32, #tpu.memory_space<vmem>>, %arg6: memref<51200xf32, #tpu.memory_space<vmem>>, %arg7: memref<8192xi32, #tpu.memory_space<vmem>>, %arg8: memref<8192xi32, #tpu.memory_space<vmem>>, %arg9: memref<!tpu.dma_semaphore, #tpu.memory_space<semaphore_mem>>, %arg10: memref<!tpu.dma_semaphore, #tpu.memory_space<semaphore_mem>>) attributes {dimension_semantics = [#tpu.dimension_semantics<core_parallel>, #tpu.dimension_semantics<subcore_parallel>], iteration_bounds = array<i64: 2, 16>, scalar_prefetch = 0 : i64, scratch_operands = 6 : i64, tpu.core_type = #tpu.core_type<sc_vector_subcore>, window_params = [{transform_indices = #map}, {transform_indices = #map1}, {transform_indices = #map2}]} {
    %mul3A = arith.constant 2 : i32
    %mul3A_0 = arith.muli %arg1, %mul3A : i32
    %add3A = arith.addi %mul3A_0, %arg0 : i32
    %lt3A = arith.constant 30 : i32
    %lt3A_1 = arith.cmpi slt, %add3A, %lt3A : i32
    %convert_element_type3A = arith.extui %lt3A_1 : i1 to i32
    %cond3A = arith.constant 0 : i32
    %cond3A_2 = arith.cmpi ne, %convert_element_type3A, %cond3A : i32
    scf.if %cond3A_2 {
      %jit3A = arith.constant 3 : i32
      %div3A = arith.divsi %add3A, %jit3A : i32
      %sign3A = arith.constant 0 : i32
      %sign3A_3 = arith.cmpi sgt, %add3A, %sign3A : i32
      %sign3A_4 = arith.extui %sign3A_3 : i1 to i32
      %sign3A_5 = arith.constant 0 : i32
      %sign3A_6 = arith.cmpi slt, %add3A, %sign3A_5 : i32
      %sign3A_7 = arith.extui %sign3A_6 : i1 to i32
      %sign3A_8 = arith.subi %sign3A_4, %sign3A_7 : i32
      %sign3A_9 = arith.constant 0 : i32
      %sign3A_10 = arith.cmpi sgt, %jit3A, %sign3A_9 : i32
      %sign3A_11 = arith.extui %sign3A_10 : i1 to i32
      %sign3A_12 = arith.constant 0 : i32
      %sign3A_13 = arith.cmpi slt, %jit3A, %sign3A_12 : i32
      %sign3A_14 = arith.extui %sign3A_13 : i1 to i32
      %sign3A_15 = arith.subi %sign3A_11, %sign3A_14 : i32
      %ne3A = arith.cmpi ne, %sign3A_8, %sign3A_15 : i32
      %rem3A = arith.remsi %add3A, %jit3A : i32
      %ne3A_16 = arith.constant 0 : i32
      %ne3A_17 = arith.cmpi ne, %rem3A, %ne3A_16 : i32
      %and3A = arith.andi %ne3A, %ne3A_17 : i1
      %sub3A = arith.constant 1 : i32
      %sub3A_18 = arith.subi %div3A, %sub3A : i32
      %select_n3A = arith.select %and3A, %sub3A_18, %div3A : i32
      %jit3A_19 = arith.constant 3 : i32
      %eq3A = arith.constant 0 : i32
      %eq3A_20 = arith.cmpi eq, %jit3A_19, %eq3A : i32
      %jit3A_21 = arith.constant 1 : i32
      %select_n3A_22 = arith.select %eq3A_20, %jit3A_21, %jit3A_19 : i32
      %rem3A_23 = arith.remsi %add3A, %select_n3A_22 : i32
      %ne3A_24 = arith.constant 0 : i32
      %ne3A_25 = arith.cmpi ne, %rem3A_23, %ne3A_24 : i32
      %lt3A_26 = arith.constant 0 : i32
      %lt3A_27 = arith.cmpi slt, %rem3A_23, %lt3A_26 : i32
      %lt3A_28 = arith.constant 0 : i32
      %lt3A_29 = arith.cmpi slt, %select_n3A_22, %lt3A_28 : i32
      %ne3A_30 = arith.xori %lt3A_27, %lt3A_29 : i1
      %and3A_31 = arith.andi %ne3A_30, %ne3A_25 : i1
      %add3A_32 = arith.addi %rem3A_23, %select_n3A_22 : i32
      %select_n3A_33 = arith.select %and3A_31, %add3A_32, %rem3A_23 : i32
      %mul3A_34 = arith.constant 1066672 : i32
      %mul3A_35 = arith.muli %select_n3A_33, %mul3A_34 : i32
      %sub3A_36 = arith.constant 3200000 : i32
      %sub3A_37 = arith.subi %sub3A_36, %mul3A_35 : i32
      %min3A = arith.constant 1066672 : i32
      %min3A_38 = arith.minsi %min3A, %sub3A_37 : i32
      %sub3A_39 = arith.constant 1064960 : i32
      %sub3A_40 = arith.subi %min3A_38, %sub3A_39 : i32
      %jit3A_41 = arith.constant 16 : i32
      %div3A_42 = arith.divsi %sub3A_40, %jit3A_41 : i32
      %sign3A_43 = arith.constant 0 : i32
      %sign3A_44 = arith.cmpi sgt, %sub3A_40, %sign3A_43 : i32
      %sign3A_45 = arith.extui %sign3A_44 : i1 to i32
      %sign3A_46 = arith.constant 0 : i32
      %sign3A_47 = arith.cmpi slt, %sub3A_40, %sign3A_46 : i32
      %sign3A_48 = arith.extui %sign3A_47 : i1 to i32
      %sign3A_49 = arith.subi %sign3A_45, %sign3A_48 : i32
      %sign3A_50 = arith.constant 0 : i32
      %sign3A_51 = arith.cmpi sgt, %jit3A_41, %sign3A_50 : i32
      %sign3A_52 = arith.extui %sign3A_51 : i1 to i32
      %sign3A_53 = arith.constant 0 : i32
      %sign3A_54 = arith.cmpi slt, %jit3A_41, %sign3A_53 : i32
      %sign3A_55 = arith.extui %sign3A_54 : i1 to i32
      %sign3A_56 = arith.subi %sign3A_52, %sign3A_55 : i32
      %ne3A_57 = arith.cmpi ne, %sign3A_49, %sign3A_56 : i32
      %rem3A_58 = arith.remsi %sub3A_40, %jit3A_41 : i32
      %ne3A_59 = arith.constant 0 : i32
      %ne3A_60 = arith.cmpi ne, %rem3A_58, %ne3A_59 : i32
      %and3A_61 = arith.andi %ne3A_57, %ne3A_60 : i1
      %sub3A_62 = arith.constant 1 : i32
      %sub3A_63 = arith.subi %div3A_42, %sub3A_62 : i32
      %select_n3A_64 = arith.select %and3A_61, %sub3A_63, %div3A_42 : i32
      %dma_start3A = arith.constant 0 : i32
      %dma_start3A_65 = tpu.memref_slice %arg2[%select_n3A, %dma_start3A] : memref<10x51200xf32, #tpu.memory_space<hbm>> -> memref<1x51200xf32, #tpu.memory_space<hbm>>
      %dma_start3A_66 = tpu.memref_squeeze %dma_start3A_65 : memref<1x51200xf32, #tpu.memory_space<hbm>> -> memref<51200xf32, #tpu.memory_space<hbm>>
      %dma_start3A_67 = arith.constant 0 : i32
      %dma_start3A_68 = tpu.memref_slice %arg2[%select_n3A, %dma_start3A_67] : memref<10x51200xf32, #tpu.memory_space<hbm>> -> memref<1x51200xf32, #tpu.memory_space<hbm>>
      %dma_start3A_69 = tpu.memref_squeeze %dma_start3A_68 : memref<1x51200xf32, #tpu.memory_space<hbm>> -> memref<51200xf32, #tpu.memory_space<hbm>>
      tpu.enqueue_dma source(%dma_start3A_69 : memref<51200xf32, #tpu.memory_space<hbm>>) target(%arg5 : memref<51200xf32, #tpu.memory_space<vmem>>) target_semaphore(%arg9 : memref<!tpu.dma_semaphore, #tpu.memory_space<semaphore_mem>>)
      %parallel_loop3A = arith.constant 0 : i32
      %parallel_loop3A_70 = arith.constant 3200 : i32
      %parallel_loop3A_71 = arith.constant 1 : i32
      scf.for %parallel_loop3A_105 = %parallel_loop3A to %parallel_loop3A_70 step %parallel_loop3A_71  : i32 {
        %parallel_loop3A_106 = arith.constant 0.000000e+00 : f32
        %parallel_loop3A_107 = vector.broadcast %parallel_loop3A_106 : f32 to vector<16xf32>
        %parallel_loop3A_108 = arith.constant 16 : i32
        %parallel_loop3A_109 = arith.muli %parallel_loop3A_105, %parallel_loop3A_108 : i32
        %parallel_loop3A_110 = arith.index_cast %parallel_loop3A_109 : i32 to index
        %parallel_loop3A_111 = tpu.vector_load %arg6[%parallel_loop3A_110] {strides = array<i32>} : memref<51200xf32, #tpu.memory_space<vmem>>, vector<16xf32>,
        tpu.vector_store %arg6[%parallel_loop3A_110], %parallel_loop3A_107 {strides = array<i32>} : memref<51200xf32, #tpu.memory_space<vmem>>, vector<16xf32>,
      } {sc.loop_unroll_factor = 4 : i64, sc.parallel_access}
      %dma_wait3A = arith.constant 0 : i32
      %dma_wait3A_72 = tpu.memref_slice %arg2[%select_n3A, %dma_wait3A] : memref<10x51200xf32, #tpu.memory_space<hbm>> -> memref<1x51200xf32, #tpu.memory_space<hbm>>
      %dma_wait3A_73 = tpu.memref_squeeze %dma_wait3A_72 : memref<1x51200xf32, #tpu.memory_space<hbm>> -> memref<51200xf32, #tpu.memory_space<hbm>>
      %dma_wait3A_74 = arith.constant 0 : i32
      %dma_wait3A_75 = tpu.memref_slice %arg2[%select_n3A, %dma_wait3A_74] : memref<10x51200xf32, #tpu.memory_space<hbm>> -> memref<1x51200xf32, #tpu.memory_space<hbm>>
      %dma_wait3A_76 = tpu.memref_squeeze %dma_wait3A_75 : memref<1x51200xf32, #tpu.memory_space<hbm>> -> memref<51200xf32, #tpu.memory_space<hbm>>
      tpu.wait_dma2 semaphore(%arg9 : memref<!tpu.dma_semaphore, #tpu.memory_space<semaphore_mem>>) src(%dma_wait3A_76 : memref<51200xf32, #tpu.memory_space<hbm>>) dst(%arg5 : memref<51200xf32, #tpu.memory_space<vmem>>)
      %sub3A_77 = arith.constant 8192 : i32
      %sub3A_78 = arith.subi %min3A_38, %sub3A_77 : i32
      %min3A_79 = arith.constant 0 : i32
      %min3A_80 = arith.minsi %min3A_79, %sub3A_78 : i32
      %add3A_81 = arith.addi %mul3A_35, %min3A_80 : i32
      %dma_start3A_82 = tpu.memref_slice %arg3[%add3A_81] : memref<3200000xi32, #tpu.memory_space<hbm>> -> memref<8192xi32, #tpu.memory_space<hbm>>
      %dma_start3A_83 = tpu.memref_slice %arg3[%add3A_81] : memref<3200000xi32, #tpu.memory_space<hbm>> -> memref<8192xi32, #tpu.memory_space<hbm>>
      tpu.enqueue_dma source(%dma_start3A_83 : memref<8192xi32, #tpu.memory_space<hbm>>) target(%arg7 : memref<8192xi32, #tpu.memory_space<vmem>>) target_semaphore(%arg9 : memref<!tpu.dma_semaphore, #tpu.memory_space<semaphore_mem>>)
      %sub3A_84 = arith.constant 8192 : i32
      %sub3A_85 = arith.subi %min3A_38, %sub3A_84 : i32
      %min3A_86 = arith.constant 8192 : i32
      %min3A_87 = arith.minsi %min3A_86, %sub3A_85 : i32
      %add3A_88 = arith.addi %mul3A_35, %min3A_87 : i32
      %dma_start3A_89 = tpu.memref_slice %arg3[%add3A_88] : memref<3200000xi32, #tpu.memory_space<hbm>> -> memref<8192xi32, #tpu.memory_space<hbm>>
      %dma_start3A_90 = tpu.memref_slice %arg3[%add3A_88] : memref<3200000xi32, #tpu.memory_space<hbm>> -> memref<8192xi32, #tpu.memory_space<hbm>>
      tpu.enqueue_dma source(%dma_start3A_90 : memref<8192xi32, #tpu.memory_space<hbm>>) target(%arg8 : memref<8192xi32, #tpu.memory_space<vmem>>) target_semaphore(%arg10 : memref<!tpu.dma_semaphore, #tpu.memory_space<semaphore_mem>>)
      %scan3A = arith.constant 0 : i32
      %scan3A_91 = arith.constant 0 : i32
      %scan3A_92 = arith.constant 65 : i32
      %scan3A_93 = arith.addi %scan3A_91, %scan3A_92 : i32
      %scan3A_94 = arith.constant 1 : i32
      %scan3A_95 = scf.for %scan3A_105 = %scan3A_91 to %scan3A_93 step %scan3A_94 iter_args(%scan3A_106 = %scan3A) -> (i32)  : i32 {
        %mul3A_107 = arith.constant 2 : i32
        %mul3A_108 = arith.muli %mul3A_107, %scan3A_105 : i32
        %add3A_109 = arith.constant 0 : i32
        %add3A_110 = arith.addi %mul3A_108, %add3A_109 : i32
        %dma_wait3A_111 = arith.constant 0 : i32
        %dma_wait3A_112 = tpu.memref_slice %arg3[%dma_wait3A_111] : memref<3200000xi32, #tpu.memory_space<hbm>> -> memref<8192xi32, #tpu.memory_space<hbm>>
        %dma_wait3A_113 = arith.constant 0 : i32
        %dma_wait3A_114 = tpu.memref_slice %arg3[%dma_wait3A_113] : memref<3200000xi32, #tpu.memory_space<hbm>> -> memref<8192xi32, #tpu.memory_space<hbm>>
        tpu.wait_dma2 semaphore(%arg9 : memref<!tpu.dma_semaphore, #tpu.memory_space<semaphore_mem>>) src(%dma_wait3A_114 : memref<8192xi32, #tpu.memory_space<hbm>>) dst(%arg7 : memref<8192xi32, #tpu.memory_space<vmem>>)
        %add3A_115 = arith.constant 2 : i32
        %add3A_116 = arith.addi %add3A_110, %add3A_115 : i32
        %le3A = arith.constant 130 : i32
        %le3A_117 = arith.cmpi sle, %add3A_116, %le3A : i32
        %convert_element_type3A_118 = arith.extui %le3A_117 : i1 to i32
        %cond3A_119 = arith.constant 0 : i32
        %cond3A_120 = arith.cmpi ne, %convert_element_type3A_118, %cond3A_119 : i32
        scf.if %cond3A_120 {
          %add3A_143 = arith.constant 2 : i32
          %add3A_144 = arith.addi %add3A_110, %add3A_143 : i32
          %mul3A_145 = arith.constant 8192 : i32
          %mul3A_146 = arith.muli %add3A_144, %mul3A_145 : i32
          %sub3A_147 = arith.constant 8192 : i32
          %sub3A_148 = arith.subi %min3A_38, %sub3A_147 : i32
          %min3A_149 = arith.minsi %mul3A_146, %sub3A_148 : i32
          %add3A_150 = arith.addi %mul3A_35, %min3A_149 : i32
          %dma_start3A_151 = tpu.memref_slice %arg3[%add3A_150] : memref<3200000xi32, #tpu.memory_space<hbm>> -> memref<8192xi32, #tpu.memory_space<hbm>>
          %dma_start3A_152 = tpu.memref_slice %arg3[%add3A_150] : memref<3200000xi32, #tpu.memory_space<hbm>> -> memref<8192xi32, #tpu.memory_space<hbm>>
          tpu.enqueue_dma source(%dma_start3A_152 : memref<8192xi32, #tpu.memory_space<hbm>>) target(%arg7 : memref<8192xi32, #tpu.memory_space<vmem>>) target_semaphore(%arg9 : memref<!tpu.dma_semaphore, #tpu.memory_space<semaphore_mem>>)
        } else {
        }
        %parallel_loop3A_121 = arith.constant 0 : i32
        %parallel_loop3A_122 = arith.constant 512 : i32
        %parallel_loop3A_123 = arith.constant 1 : i32
        scf.for %parallel_loop3A_143 = %parallel_loop3A_121 to %parallel_loop3A_122 step %parallel_loop3A_123  : i32 {
          %parallel_loop3A_144 = arith.constant 16 : i32
          %parallel_loop3A_145 = arith.muli %parallel_loop3A_143, %parallel_loop3A_144 : i32
          %parallel_loop3A_146 = arith.index_cast %parallel_loop3A_145 : i32 to index
          %parallel_loop3A_147 = tpu.vector_load %arg7[%parallel_loop3A_146] {strides = array<i32>} : memref<8192xi32, #tpu.memory_space<vmem>>, vector<16xi32>,
          %parallel_loop3A_148 = arith.constant 65535 : i32
          %parallel_loop3A_149 = vector.broadcast %parallel_loop3A_148 : i32 to vector<16xi32>
          %parallel_loop3A_150 = arith.andi %parallel_loop3A_147, %parallel_loop3A_149 : vector<16xi32>
          %parallel_loop3A_151 = arith.constant 16 : i32
          %parallel_loop3A_152 = vector.broadcast %parallel_loop3A_151 : i32 to vector<16xi32>
          %parallel_loop3A_153 = arith.shrsi %parallel_loop3A_147, %parallel_loop3A_152 : vector<16xi32>
          %parallel_loop3A_154 = arith.constant 65535 : i32
          %parallel_loop3A_155 = vector.broadcast %parallel_loop3A_154 : i32 to vector<16xi32>
          %parallel_loop3A_156 = arith.andi %parallel_loop3A_153, %parallel_loop3A_155 : vector<16xi32>
          %parallel_loop3A_157 = tpu.vector_load_idx %arg5[%parallel_loop3A_150] : memref<51200xf32, #tpu.memory_space<vmem>>[vector<16xi32>], vector<16xf32>,
          tpu.vector_store_idx %arg6[%parallel_loop3A_156], %parallel_loop3A_157 {add = true} : memref<51200xf32, #tpu.memory_space<vmem>>[vector<16xi32>], vector<16xf32>,
        } {sc.loop_unroll_factor = 16 : i64, sc.parallel_access}
        %mul3A_124 = arith.constant 2 : i32
        %mul3A_125 = arith.muli %mul3A_124, %scan3A_105 : i32
        %add3A_126 = arith.constant 1 : i32
        %add3A_127 = arith.addi %mul3A_125, %add3A_126 : i32
        %dma_wait3A_128 = arith.constant 0 : i32
        %dma_wait3A_129 = tpu.memref_slice %arg3[%dma_wait3A_128] : memref<3200000xi32, #tpu.memory_space<hbm>> -> memref<8192xi32, #tpu.memory_space<hbm>>
        %dma_wait3A_130 = arith.constant 0 : i32
        %dma_wait3A_131 = tpu.memref_slice %arg3[%dma_wait3A_130] : memref<3200000xi32, #tpu.memory_space<hbm>> -> memref<8192xi32, #tpu.memory_space<hbm>>
        tpu.wait_dma2 semaphore(%arg10 : memref<!tpu.dma_semaphore, #tpu.memory_space<semaphore_mem>>) src(%dma_wait3A_131 : memref<8192xi32, #tpu.memory_space<hbm>>) dst(%arg8 : memref<8192xi32, #tpu.memory_space<vmem>>)
        %add3A_132 = arith.constant 2 : i32
        %add3A_133 = arith.addi %add3A_127, %add3A_132 : i32
        %le3A_134 = arith.constant 130 : i32
        %le3A_135 = arith.cmpi sle, %add3A_133, %le3A_134 : i32
        %convert_element_type3A_136 = arith.extui %le3A_135 : i1 to i32
        %cond3A_137 = arith.constant 0 : i32
        %cond3A_138 = arith.cmpi ne, %convert_element_type3A_136, %cond3A_137 : i32
        scf.if %cond3A_138 {
          %add3A_143 = arith.constant 2 : i32
          %add3A_144 = arith.addi %add3A_127, %add3A_143 : i32
          %mul3A_145 = arith.constant 8192 : i32
          %mul3A_146 = arith.muli %add3A_144, %mul3A_145 : i32
          %sub3A_147 = arith.constant 8192 : i32
          %sub3A_148 = arith.subi %min3A_38, %sub3A_147 : i32
          %min3A_149 = arith.minsi %mul3A_146, %sub3A_148 : i32
          %add3A_150 = arith.addi %mul3A_35, %min3A_149 : i32
          %dma_start3A_151 = tpu.memref_slice %arg3[%add3A_150] : memref<3200000xi32, #tpu.memory_space<hbm>> -> memref<8192xi32, #tpu.memory_space<hbm>>
          %dma_start3A_152 = tpu.memref_slice %arg3[%add3A_150] : memref<3200000xi32, #tpu.memory_space<hbm>> -> memref<8192xi32, #tpu.memory_space<hbm>>
          tpu.enqueue_dma source(%dma_start3A_152 : memref<8192xi32, #tpu.memory_space<hbm>>) target(%arg8 : memref<8192xi32, #tpu.memory_space<vmem>>) target_semaphore(%arg10 : memref<!tpu.dma_semaphore, #tpu.memory_space<semaphore_mem>>)
        } else {
        }
        %parallel_loop3A_139 = arith.constant 0 : i32
        %parallel_loop3A_140 = arith.constant 512 : i32
        %parallel_loop3A_141 = arith.constant 1 : i32
        scf.for %parallel_loop3A_143 = %parallel_loop3A_139 to %parallel_loop3A_140 step %parallel_loop3A_141  : i32 {
          %parallel_loop3A_144 = arith.constant 16 : i32
          %parallel_loop3A_145 = arith.muli %parallel_loop3A_143, %parallel_loop3A_144 : i32
          %parallel_loop3A_146 = arith.index_cast %parallel_loop3A_145 : i32 to index
          %parallel_loop3A_147 = tpu.vector_load %arg8[%parallel_loop3A_146] {strides = array<i32>} : memref<8192xi32, #tpu.memory_space<vmem>>, vector<16xi32>,
          %parallel_loop3A_148 = arith.constant 65535 : i32
          %parallel_loop3A_149 = vector.broadcast %parallel_loop3A_148 : i32 to vector<16xi32>
          %parallel_loop3A_150 = arith.andi %parallel_loop3A_147, %parallel_loop3A_149 : vector<16xi32>
          %parallel_loop3A_151 = arith.constant 16 : i32
          %parallel_loop3A_152 = vector.broadcast %parallel_loop3A_151 : i32 to vector<16xi32>
          %parallel_loop3A_153 = arith.shrsi %parallel_loop3A_147, %parallel_loop3A_152 : vector<16xi32>
          %parallel_loop3A_154 = arith.constant 65535 : i32
          %parallel_loop3A_155 = vector.broadcast %parallel_loop3A_154 : i32 to vector<16xi32>
          %parallel_loop3A_156 = arith.andi %parallel_loop3A_153, %parallel_loop3A_155 : vector<16xi32>
          %parallel_loop3A_157 = tpu.vector_load_idx %arg5[%parallel_loop3A_150] : memref<51200xf32, #tpu.memory_space<vmem>>[vector<16xi32>], vector<16xf32>,
          tpu.vector_store_idx %arg6[%parallel_loop3A_156], %parallel_loop3A_157 {add = true} : memref<51200xf32, #tpu.memory_space<vmem>>[vector<16xi32>], vector<16xf32>,
        } {sc.loop_unroll_factor = 16 : i64, sc.parallel_access}
        %scan3A_142 = arith.constant 0 : i32
        scf.yield %scan3A_142 : i32
      }
      %scan3A_96 = arith.constant 65 : i32
      %dma_wait3A_97 = arith.constant 0 : i32
      %dma_wait3A_98 = tpu.memref_slice %arg3[%dma_wait3A_97] : memref<3200000xi32, #tpu.memory_space<hbm>> -> memref<8192xi32, #tpu.memory_space<hbm>>
      %dma_wait3A_99 = arith.constant 0 : i32
      %dma_wait3A_100 = tpu.memref_slice %arg3[%dma_wait3A_99] : memref<3200000xi32, #tpu.memory_space<hbm>> -> memref<8192xi32, #tpu.memory_space<hbm>>
      tpu.wait_dma2 semaphore(%arg9 : memref<!tpu.dma_semaphore, #tpu.memory_space<semaphore_mem>>) src(%dma_wait3A_100 : memref<8192xi32, #tpu.memory_space<hbm>>) dst(%arg7 : memref<8192xi32, #tpu.memory_space<vmem>>)
      %sub3A_101 = arith.constant 512 : i32
      %sub3A_102 = arith.subi %sub3A_101, %select_n3A_64 : i32
      %parallel_loop3A_103 = arith.constant 512 : i32
      %parallel_loop3A_104 = arith.constant 1 : i32
      scf.for %parallel_loop3A_105 = %sub3A_102 to %parallel_loop3A_103 step %parallel_loop3A_104  : i32 {
        %parallel_loop3A_106 = arith.constant 16 : i32
        %parallel_loop3A_107 = arith.muli %parallel_loop3A_105, %parallel_loop3A_106 : i32
        %parallel_loop3A_108 = arith.index_cast %parallel_loop3A_107 : i32 to index
        %parallel_loop3A_109 = tpu.vector_load %arg7[%parallel_loop3A_108] {strides = array<i32>} : memref<8192xi32, #tpu.memory_space<vmem>>, vector<16xi32>,
        %parallel_loop3A_110 = arith.constant 65535 : i32
        %parallel_loop3A_111 = vector.broadcast %parallel_loop3A_110 : i32 to vector<16xi32>
        %parallel_loop3A_112 = arith.andi %parallel_loop3A_109, %parallel_loop3A_111 : vector<16xi32>
        %parallel_loop3A_113 = arith.constant 16 : i32
        %parallel_loop3A_114 = vector.broadcast %parallel_loop3A_113 : i32 to vector<16xi32>
        %parallel_loop3A_115 = arith.shrsi %parallel_loop3A_109, %parallel_loop3A_114 : vector<16xi32>
        %parallel_loop3A_116 = arith.constant 65535 : i32
        %parallel_loop3A_117 = vector.broadcast %parallel_loop3A_116 : i32 to vector<16xi32>
        %parallel_loop3A_118 = arith.andi %parallel_loop3A_115, %parallel_loop3A_117 : vector<16xi32>
        %parallel_loop3A_119 = tpu.vector_load_idx %arg5[%parallel_loop3A_112] : memref<51200xf32, #tpu.memory_space<vmem>>[vector<16xi32>], vector<16xf32>,
        tpu.vector_store_idx %arg6[%parallel_loop3A_118], %parallel_loop3A_119 {add = true} : memref<51200xf32, #tpu.memory_space<vmem>>[vector<16xi32>], vector<16xf32>,
      } {sc.loop_unroll_factor = 2 : i64, sc.parallel_access}
      "tpu.region"() ({
        %run_scoped3A = tpu.sem_alloc : memref<!tpu.dma_semaphore, #tpu.memory_space<semaphore_mem>>
        %dma_start3A_105 = arith.constant 0 : i32
        %dma_start3A_106 = tpu.memref_slice %arg4[%select_n3A, %select_n3A_33, %dma_start3A_105] : memref<10x3x51200xf32, #tpu.memory_space<hbm>> -> memref<1x1x51200xf32, #tpu.memory_space<hbm>>
        %dma_start3A_107 = tpu.memref_squeeze %dma_start3A_106 : memref<1x1x51200xf32, #tpu.memory_space<hbm>> -> memref<51200xf32, #tpu.memory_space<hbm>>
        %dma_start3A_108 = arith.constant 0 : i32
        %dma_start3A_109 = tpu.memref_slice %arg4[%select_n3A, %select_n3A_33, %dma_start3A_108] : memref<10x3x51200xf32, #tpu.memory_space<hbm>> -> memref<1x1x51200xf32, #tpu.memory_space<hbm>>
        %dma_start3A_110 = tpu.memref_squeeze %dma_start3A_109 : memref<1x1x51200xf32, #tpu.memory_space<hbm>> -> memref<51200xf32, #tpu.memory_space<hbm>>
        tpu.enqueue_dma source(%arg6 : memref<51200xf32, #tpu.memory_space<vmem>>) target(%dma_start3A_110 : memref<51200xf32, #tpu.memory_space<hbm>>) target_semaphore(%run_scoped3A : memref<!tpu.dma_semaphore, #tpu.memory_space<semaphore_mem>>)
        %dma_wait3A_111 = arith.constant 0 : i32
        %dma_wait3A_112 = tpu.memref_slice %arg4[%select_n3A, %select_n3A_33, %dma_wait3A_111] : memref<10x3x51200xf32, #tpu.memory_space<hbm>> -> memref<1x1x51200xf32, #tpu.memory_space<hbm>>
        %dma_wait3A_113 = tpu.memref_squeeze %dma_wait3A_112 : memref<1x1x51200xf32, #tpu.memory_space<hbm>> -> memref<51200xf32, #tpu.memory_space<hbm>>
        %dma_wait3A_114 = arith.constant 0 : i32
        %dma_wait3A_115 = tpu.memref_slice %arg4[%select_n3A, %select_n3A_33, %dma_wait3A_114] : memref<10x3x51200xf32, #tpu.memory_space<hbm>> -> memref<1x1x51200xf32, #tpu.memory_space<hbm>>
        %dma_wait3A_116 = tpu.memref_squeeze %dma_wait3A_115 : memref<1x1x51200xf32, #tpu.memory_space<hbm>> -> memref<51200xf32, #tpu.memory_space<hbm>>
        tpu.wait_dma2 semaphore(%run_scoped3A : memref<!tpu.dma_semaphore, #tpu.memory_space<semaphore_mem>>) src(%arg6 : memref<51200xf32, #tpu.memory_space<vmem>>) dst(%dma_wait3A_116 : memref<51200xf32, #tpu.memory_space<hbm>>)
        tpu.yield
      }) : () -> ()
    } else {
    }
    return
  }
}

#map = affine_map<(d0, d1) -> (0, 0)>
#map1 = affine_map<(d0, d1) -> (0)>
#map2 = affine_map<(d0, d1) -> (0, 0, 0)>
module attributes {stable_mosaic.version = 14 : i64} {
  func.func @k(%arg0: i32, %arg1: i32, %arg2: memref<10x51200xf32, #tpu.memory_space<hbm>>, %arg3: memref<3200000xi32, #tpu.memory_space<hbm>>, %arg4: memref<10x3x51200xf32, #tpu.memory_space<hbm>>, %arg5: memref<51200xf32, #tpu.memory_space<vmem>>, %arg6: memref<51200xf32, #tpu.memory_space<vmem>>, %arg7: memref<8192xi32, #tpu.memory_space<vmem>>, %arg8: memref<8192xi32, #tpu.memory_space<vmem>>, %arg9: memref<!tpu.dma_semaphore, #tpu.memory_space<semaphore_mem>>, %arg10: memref<!tpu.dma_semaphore, #tpu.memory_space<semaphore_mem>>) attributes {dimension_semantics = [#tpu.dimension_semantics<core_parallel>, #tpu.dimension_semantics<subcore_parallel>], iteration_bounds = array<i64: 2, 16>, scalar_prefetch = 0 : i64, scratch_operands = 6 : i64, tpu.core_type = #tpu.core_type<sc_vector_subcore>, window_params = [{transform_indices = #map}, {transform_indices = #map1}, {transform_indices = #map2}]} {
    %mul3A = arith.constant 2 : i32
    %mul3A_0 = arith.muli %arg1, %mul3A : i32
    %add3A = arith.addi %mul3A_0, %arg0 : i32
    %lt3A = arith.constant 30 : i32
    %lt3A_1 = arith.cmpi slt, %add3A, %lt3A : i32
    %convert_element_type3A = arith.extui %lt3A_1 : i1 to i32
    %cond3A = arith.constant 0 : i32
    %cond3A_2 = arith.cmpi ne, %convert_element_type3A, %cond3A : i32
    scf.if %cond3A_2 {
      %jit3A = arith.constant 3 : i32
      %div3A = arith.divsi %add3A, %jit3A : i32
      %sign3A = arith.constant 0 : i32
      %sign3A_3 = arith.cmpi sgt, %add3A, %sign3A : i32
      %sign3A_4 = arith.extui %sign3A_3 : i1 to i32
      %sign3A_5 = arith.constant 0 : i32
      %sign3A_6 = arith.cmpi slt, %add3A, %sign3A_5 : i32
      %sign3A_7 = arith.extui %sign3A_6 : i1 to i32
      %sign3A_8 = arith.subi %sign3A_4, %sign3A_7 : i32
      %sign3A_9 = arith.constant 0 : i32
      %sign3A_10 = arith.cmpi sgt, %jit3A, %sign3A_9 : i32
      %sign3A_11 = arith.extui %sign3A_10 : i1 to i32
      %sign3A_12 = arith.constant 0 : i32
      %sign3A_13 = arith.cmpi slt, %jit3A, %sign3A_12 : i32
      %sign3A_14 = arith.extui %sign3A_13 : i1 to i32
      %sign3A_15 = arith.subi %sign3A_11, %sign3A_14 : i32
      %ne3A = arith.cmpi ne, %sign3A_8, %sign3A_15 : i32
      %rem3A = arith.remsi %add3A, %jit3A : i32
      %ne3A_16 = arith.constant 0 : i32
      %ne3A_17 = arith.cmpi ne, %rem3A, %ne3A_16 : i32
      %and3A = arith.andi %ne3A, %ne3A_17 : i1
      %sub3A = arith.constant 1 : i32
      %sub3A_18 = arith.subi %div3A, %sub3A : i32
      %select_n3A = arith.select %and3A, %sub3A_18, %div3A : i32
      %jit3A_19 = arith.constant 3 : i32
      %eq3A = arith.constant 0 : i32
      %eq3A_20 = arith.cmpi eq, %jit3A_19, %eq3A : i32
      %jit3A_21 = arith.constant 1 : i32
      %select_n3A_22 = arith.select %eq3A_20, %jit3A_21, %jit3A_19 : i32
      %rem3A_23 = arith.remsi %add3A, %select_n3A_22 : i32
      %ne3A_24 = arith.constant 0 : i32
      %ne3A_25 = arith.cmpi ne, %rem3A_23, %ne3A_24 : i32
      %lt3A_26 = arith.constant 0 : i32
      %lt3A_27 = arith.cmpi slt, %rem3A_23, %lt3A_26 : i32
      %lt3A_28 = arith.constant 0 : i32
      %lt3A_29 = arith.cmpi slt, %select_n3A_22, %lt3A_28 : i32
      %ne3A_30 = arith.xori %lt3A_27, %lt3A_29 : i1
      %and3A_31 = arith.andi %ne3A_30, %ne3A_25 : i1
      %add3A_32 = arith.addi %rem3A_23, %select_n3A_22 : i32
      %select_n3A_33 = arith.select %and3A_31, %add3A_32, %rem3A_23 : i32
      %mul3A_34 = arith.constant 1066672 : i32
      %mul3A_35 = arith.muli %select_n3A_33, %mul3A_34 : i32
      %sub3A_36 = arith.constant 3200000 : i32
      %sub3A_37 = arith.subi %sub3A_36, %mul3A_35 : i32
      %min3A = arith.constant 1066672 : i32
      %min3A_38 = arith.minsi %min3A, %sub3A_37 : i32
      %sub3A_39 = arith.constant 1064960 : i32
      %sub3A_40 = arith.subi %min3A_38, %sub3A_39 : i32
      %jit3A_41 = arith.constant 16 : i32
      %div3A_42 = arith.divsi %sub3A_40, %jit3A_41 : i32
      %sign3A_43 = arith.constant 0 : i32
      %sign3A_44 = arith.cmpi sgt, %sub3A_40, %sign3A_43 : i32
      %sign3A_45 = arith.extui %sign3A_44 : i1 to i32
      %sign3A_46 = arith.constant 0 : i32
      %sign3A_47 = arith.cmpi slt, %sub3A_40, %sign3A_46 : i32
      %sign3A_48 = arith.extui %sign3A_47 : i1 to i32
      %sign3A_49 = arith.subi %sign3A_45, %sign3A_48 : i32
      %sign3A_50 = arith.constant 0 : i32
      %sign3A_51 = arith.cmpi sgt, %jit3A_41, %sign3A_50 : i32
      %sign3A_52 = arith.extui %sign3A_51 : i1 to i32
      %sign3A_53 = arith.constant 0 : i32
      %sign3A_54 = arith.cmpi slt, %jit3A_41, %sign3A_53 : i32
      %sign3A_55 = arith.extui %sign3A_54 : i1 to i32
      %sign3A_56 = arith.subi %sign3A_52, %sign3A_55 : i32
      %ne3A_57 = arith.cmpi ne, %sign3A_49, %sign3A_56 : i32
      %rem3A_58 = arith.remsi %sub3A_40, %jit3A_41 : i32
      %ne3A_59 = arith.constant 0 : i32
      %ne3A_60 = arith.cmpi ne, %rem3A_58, %ne3A_59 : i32
      %and3A_61 = arith.andi %ne3A_57, %ne3A_60 : i1
      %sub3A_62 = arith.constant 1 : i32
      %sub3A_63 = arith.subi %div3A_42, %sub3A_62 : i32
      %select_n3A_64 = arith.select %and3A_61, %sub3A_63, %div3A_42 : i32
      %dma_start3A = arith.constant 0 : i32
      %dma_start3A_65 = tpu.memref_slice %arg2[%select_n3A, %dma_start3A] : memref<10x51200xf32, #tpu.memory_space<hbm>> -> memref<1x51200xf32, #tpu.memory_space<hbm>>
      %dma_start3A_66 = tpu.memref_squeeze %dma_start3A_65 : memref<1x51200xf32, #tpu.memory_space<hbm>> -> memref<51200xf32, #tpu.memory_space<hbm>>
      %dma_start3A_67 = arith.constant 0 : i32
      %dma_start3A_68 = tpu.memref_slice %arg2[%select_n3A, %dma_start3A_67] : memref<10x51200xf32, #tpu.memory_space<hbm>> -> memref<1x51200xf32, #tpu.memory_space<hbm>>
      %dma_start3A_69 = tpu.memref_squeeze %dma_start3A_68 : memref<1x51200xf32, #tpu.memory_space<hbm>> -> memref<51200xf32, #tpu.memory_space<hbm>>
      tpu.enqueue_dma source(%dma_start3A_69 : memref<51200xf32, #tpu.memory_space<hbm>>) target(%arg5 : memref<51200xf32, #tpu.memory_space<vmem>>) target_semaphore(%arg9 : memref<!tpu.dma_semaphore, #tpu.memory_space<semaphore_mem>>)
      %parallel_loop3A = arith.constant 0 : i32
      %parallel_loop3A_70 = arith.constant 3200 : i32
      %parallel_loop3A_71 = arith.constant 1 : i32
      scf.for %parallel_loop3A_105 = %parallel_loop3A to %parallel_loop3A_70 step %parallel_loop3A_71  : i32 {
        %parallel_loop3A_106 = arith.constant 0.000000e+00 : f32
        %parallel_loop3A_107 = vector.broadcast %parallel_loop3A_106 : f32 to vector<16xf32>
        %parallel_loop3A_108 = arith.constant 16 : i32
        %parallel_loop3A_109 = arith.muli %parallel_loop3A_105, %parallel_loop3A_108 : i32
        %parallel_loop3A_110 = arith.index_cast %parallel_loop3A_109 : i32 to index
        %parallel_loop3A_111 = tpu.vector_load %arg6[%parallel_loop3A_110] {strides = array<i32>} : memref<51200xf32, #tpu.memory_space<vmem>>, vector<16xf32>,
        tpu.vector_store %arg6[%parallel_loop3A_110], %parallel_loop3A_107 {strides = array<i32>} : memref<51200xf32, #tpu.memory_space<vmem>>, vector<16xf32>,
      } {sc.loop_unroll_factor = 4 : i64, sc.parallel_access}
      %dma_wait3A = arith.constant 0 : i32
      %dma_wait3A_72 = tpu.memref_slice %arg2[%select_n3A, %dma_wait3A] : memref<10x51200xf32, #tpu.memory_space<hbm>> -> memref<1x51200xf32, #tpu.memory_space<hbm>>
      %dma_wait3A_73 = tpu.memref_squeeze %dma_wait3A_72 : memref<1x51200xf32, #tpu.memory_space<hbm>> -> memref<51200xf32, #tpu.memory_space<hbm>>
      %dma_wait3A_74 = arith.constant 0 : i32
      %dma_wait3A_75 = tpu.memref_slice %arg2[%select_n3A, %dma_wait3A_74] : memref<10x51200xf32, #tpu.memory_space<hbm>> -> memref<1x51200xf32, #tpu.memory_space<hbm>>
      %dma_wait3A_76 = tpu.memref_squeeze %dma_wait3A_75 : memref<1x51200xf32, #tpu.memory_space<hbm>> -> memref<51200xf32, #tpu.memory_space<hbm>>
      tpu.wait_dma2 semaphore(%arg9 : memref<!tpu.dma_semaphore, #tpu.memory_space<semaphore_mem>>) src(%dma_wait3A_76 : memref<51200xf32, #tpu.memory_space<hbm>>) dst(%arg5 : memref<51200xf32, #tpu.memory_space<vmem>>)
      %sub3A_77 = arith.constant 8192 : i32
      %sub3A_78 = arith.subi %min3A_38, %sub3A_77 : i32
      %min3A_79 = arith.constant 0 : i32
      %min3A_80 = arith.minsi %min3A_79, %sub3A_78 : i32
      %add3A_81 = arith.addi %mul3A_35, %min3A_80 : i32
      %dma_start3A_82 = tpu.memref_slice %arg3[%add3A_81] : memref<3200000xi32, #tpu.memory_space<hbm>> -> memref<8192xi32, #tpu.memory_space<hbm>>
      %dma_start3A_83 = tpu.memref_slice %arg3[%add3A_81] : memref<3200000xi32, #tpu.memory_space<hbm>> -> memref<8192xi32, #tpu.memory_space<hbm>>
      tpu.enqueue_dma source(%dma_start3A_83 : memref<8192xi32, #tpu.memory_space<hbm>>) target(%arg7 : memref<8192xi32, #tpu.memory_space<vmem>>) target_semaphore(%arg9 : memref<!tpu.dma_semaphore, #tpu.memory_space<semaphore_mem>>)
      %sub3A_84 = arith.constant 8192 : i32
      %sub3A_85 = arith.subi %min3A_38, %sub3A_84 : i32
      %min3A_86 = arith.constant 8192 : i32
      %min3A_87 = arith.minsi %min3A_86, %sub3A_85 : i32
      %add3A_88 = arith.addi %mul3A_35, %min3A_87 : i32
      %dma_start3A_89 = tpu.memref_slice %arg3[%add3A_88] : memref<3200000xi32, #tpu.memory_space<hbm>> -> memref<8192xi32, #tpu.memory_space<hbm>>
      %dma_start3A_90 = tpu.memref_slice %arg3[%add3A_88] : memref<3200000xi32, #tpu.memory_space<hbm>> -> memref<8192xi32, #tpu.memory_space<hbm>>
      tpu.enqueue_dma source(%dma_start3A_90 : memref<8192xi32, #tpu.memory_space<hbm>>) target(%arg8 : memref<8192xi32, #tpu.memory_space<vmem>>) target_semaphore(%arg10 : memref<!tpu.dma_semaphore, #tpu.memory_space<semaphore_mem>>)
      %scan3A = arith.constant 0 : i32
      %scan3A_91 = arith.constant 0 : i32
      %scan3A_92 = arith.constant 65 : i32
      %scan3A_93 = arith.addi %scan3A_91, %scan3A_92 : i32
      %scan3A_94 = arith.constant 1 : i32
      %scan3A_95 = scf.for %scan3A_105 = %scan3A_91 to %scan3A_93 step %scan3A_94 iter_args(%scan3A_106 = %scan3A) -> (i32)  : i32 {
        %mul3A_107 = arith.constant 2 : i32
        %mul3A_108 = arith.muli %mul3A_107, %scan3A_105 : i32
        %add3A_109 = arith.constant 0 : i32
        %add3A_110 = arith.addi %mul3A_108, %add3A_109 : i32
        %dma_wait3A_111 = arith.constant 0 : i32
        %dma_wait3A_112 = tpu.memref_slice %arg3[%dma_wait3A_111] : memref<3200000xi32, #tpu.memory_space<hbm>> -> memref<8192xi32, #tpu.memory_space<hbm>>
        %dma_wait3A_113 = arith.constant 0 : i32
        %dma_wait3A_114 = tpu.memref_slice %arg3[%dma_wait3A_113] : memref<3200000xi32, #tpu.memory_space<hbm>> -> memref<8192xi32, #tpu.memory_space<hbm>>
        tpu.wait_dma2 semaphore(%arg9 : memref<!tpu.dma_semaphore, #tpu.memory_space<semaphore_mem>>) src(%dma_wait3A_114 : memref<8192xi32, #tpu.memory_space<hbm>>) dst(%arg7 : memref<8192xi32, #tpu.memory_space<vmem>>)
        %add3A_115 = arith.constant 2 : i32
        %add3A_116 = arith.addi %add3A_110, %add3A_115 : i32
        %le3A = arith.constant 130 : i32
        %le3A_117 = arith.cmpi sle, %add3A_116, %le3A : i32
        %convert_element_type3A_118 = arith.extui %le3A_117 : i1 to i32
        %cond3A_119 = arith.constant 0 : i32
        %cond3A_120 = arith.cmpi ne, %convert_element_type3A_118, %cond3A_119 : i32
        scf.if %cond3A_120 {
          %add3A_143 = arith.constant 2 : i32
          %add3A_144 = arith.addi %add3A_110, %add3A_143 : i32
          %mul3A_145 = arith.constant 8192 : i32
          %mul3A_146 = arith.muli %add3A_144, %mul3A_145 : i32
          %sub3A_147 = arith.constant 8192 : i32
          %sub3A_148 = arith.subi %min3A_38, %sub3A_147 : i32
          %min3A_149 = arith.minsi %mul3A_146, %sub3A_148 : i32
          %add3A_150 = arith.addi %mul3A_35, %min3A_149 : i32
          %dma_start3A_151 = tpu.memref_slice %arg3[%add3A_150] : memref<3200000xi32, #tpu.memory_space<hbm>> -> memref<8192xi32, #tpu.memory_space<hbm>>
          %dma_start3A_152 = tpu.memref_slice %arg3[%add3A_150] : memref<3200000xi32, #tpu.memory_space<hbm>> -> memref<8192xi32, #tpu.memory_space<hbm>>
          tpu.enqueue_dma source(%dma_start3A_152 : memref<8192xi32, #tpu.memory_space<hbm>>) target(%arg7 : memref<8192xi32, #tpu.memory_space<vmem>>) target_semaphore(%arg9 : memref<!tpu.dma_semaphore, #tpu.memory_space<semaphore_mem>>)
        } else {
        }
        %parallel_loop3A_121 = arith.constant 0 : i32
        %parallel_loop3A_122 = arith.constant 512 : i32
        %parallel_loop3A_123 = arith.constant 1 : i32
        scf.for %parallel_loop3A_143 = %parallel_loop3A_121 to %parallel_loop3A_122 step %parallel_loop3A_123  : i32 {
          %parallel_loop3A_144 = arith.constant 16 : i32
          %parallel_loop3A_145 = arith.muli %parallel_loop3A_143, %parallel_loop3A_144 : i32
          %parallel_loop3A_146 = arith.index_cast %parallel_loop3A_145 : i32 to index
          %parallel_loop3A_147 = tpu.vector_load %arg7[%parallel_loop3A_146] {strides = array<i32>} : memref<8192xi32, #tpu.memory_space<vmem>>, vector<16xi32>,
          %parallel_loop3A_148 = arith.constant 65535 : i32
          %parallel_loop3A_149 = vector.broadcast %parallel_loop3A_148 : i32 to vector<16xi32>
          %parallel_loop3A_150 = arith.andi %parallel_loop3A_147, %parallel_loop3A_149 : vector<16xi32>
          %parallel_loop3A_151 = arith.constant 16 : i32
          %parallel_loop3A_152 = vector.broadcast %parallel_loop3A_151 : i32 to vector<16xi32>
          %parallel_loop3A_153 = arith.shrsi %parallel_loop3A_147, %parallel_loop3A_152 : vector<16xi32>
          %parallel_loop3A_154 = arith.constant 65535 : i32
          %parallel_loop3A_155 = vector.broadcast %parallel_loop3A_154 : i32 to vector<16xi32>
          %parallel_loop3A_156 = arith.andi %parallel_loop3A_153, %parallel_loop3A_155 : vector<16xi32>
          %parallel_loop3A_157 = tpu.vector_load_idx %arg5[%parallel_loop3A_150] : memref<51200xf32, #tpu.memory_space<vmem>>[vector<16xi32>], vector<16xf32>,
          tpu.vector_store_idx %arg6[%parallel_loop3A_156], %parallel_loop3A_157 {add = true} : memref<51200xf32, #tpu.memory_space<vmem>>[vector<16xi32>], vector<16xf32>,
        } {sc.loop_unroll_factor = 16 : i64, sc.parallel_access}
        %mul3A_124 = arith.constant 2 : i32
        %mul3A_125 = arith.muli %mul3A_124, %scan3A_105 : i32
        %add3A_126 = arith.constant 1 : i32
        %add3A_127 = arith.addi %mul3A_125, %add3A_126 : i32
        %dma_wait3A_128 = arith.constant 0 : i32
        %dma_wait3A_129 = tpu.memref_slice %arg3[%dma_wait3A_128] : memref<3200000xi32, #tpu.memory_space<hbm>> -> memref<8192xi32, #tpu.memory_space<hbm>>
        %dma_wait3A_130 = arith.constant 0 : i32
        %dma_wait3A_131 = tpu.memref_slice %arg3[%dma_wait3A_130] : memref<3200000xi32, #tpu.memory_space<hbm>> -> memref<8192xi32, #tpu.memory_space<hbm>>
        tpu.wait_dma2 semaphore(%arg10 : memref<!tpu.dma_semaphore, #tpu.memory_space<semaphore_mem>>) src(%dma_wait3A_131 : memref<8192xi32, #tpu.memory_space<hbm>>) dst(%arg8 : memref<8192xi32, #tpu.memory_space<vmem>>)
        %add3A_132 = arith.constant 2 : i32
        %add3A_133 = arith.addi %add3A_127, %add3A_132 : i32
        %le3A_134 = arith.constant 130 : i32
        %le3A_135 = arith.cmpi sle, %add3A_133, %le3A_134 : i32
        %convert_element_type3A_136 = arith.extui %le3A_135 : i1 to i32
        %cond3A_137 = arith.constant 0 : i32
        %cond3A_138 = arith.cmpi ne, %convert_element_type3A_136, %cond3A_137 : i32
        scf.if %cond3A_138 {
          %add3A_143 = arith.constant 2 : i32
          %add3A_144 = arith.addi %add3A_127, %add3A_143 : i32
          %mul3A_145 = arith.constant 8192 : i32
          %mul3A_146 = arith.muli %add3A_144, %mul3A_145 : i32
          %sub3A_147 = arith.constant 8192 : i32
          %sub3A_148 = arith.subi %min3A_38, %sub3A_147 : i32
          %min3A_149 = arith.minsi %mul3A_146, %sub3A_148 : i32
          %add3A_150 = arith.addi %mul3A_35, %min3A_149 : i32
          %dma_start3A_151 = tpu.memref_slice %arg3[%add3A_150] : memref<3200000xi32, #tpu.memory_space<hbm>> -> memref<8192xi32, #tpu.memory_space<hbm>>
          %dma_start3A_152 = tpu.memref_slice %arg3[%add3A_150] : memref<3200000xi32, #tpu.memory_space<hbm>> -> memref<8192xi32, #tpu.memory_space<hbm>>
          tpu.enqueue_dma source(%dma_start3A_152 : memref<8192xi32, #tpu.memory_space<hbm>>) target(%arg8 : memref<8192xi32, #tpu.memory_space<vmem>>) target_semaphore(%arg10 : memref<!tpu.dma_semaphore, #tpu.memory_space<semaphore_mem>>)
        } else {
        }
        %parallel_loop3A_139 = arith.constant 0 : i32
        %parallel_loop3A_140 = arith.constant 512 : i32
        %parallel_loop3A_141 = arith.constant 1 : i32
        scf.for %parallel_loop3A_143 = %parallel_loop3A_139 to %parallel_loop3A_140 step %parallel_loop3A_141  : i32 {
          %parallel_loop3A_144 = arith.constant 16 : i32
          %parallel_loop3A_145 = arith.muli %parallel_loop3A_143, %parallel_loop3A_144 : i32
          %parallel_loop3A_146 = arith.index_cast %parallel_loop3A_145 : i32 to index
          %parallel_loop3A_147 = tpu.vector_load %arg8[%parallel_loop3A_146] {strides = array<i32>} : memref<8192xi32, #tpu.memory_space<vmem>>, vector<16xi32>,
          %parallel_loop3A_148 = arith.constant 65535 : i32
          %parallel_loop3A_149 = vector.broadcast %parallel_loop3A_148 : i32 to vector<16xi32>
          %parallel_loop3A_150 = arith.andi %parallel_loop3A_147, %parallel_loop3A_149 : vector<16xi32>
          %parallel_loop3A_151 = arith.constant 16 : i32
          %parallel_loop3A_152 = vector.broadcast %parallel_loop3A_151 : i32 to vector<16xi32>
          %parallel_loop3A_153 = arith.shrsi %parallel_loop3A_147, %parallel_loop3A_152 : vector<16xi32>
          %parallel_loop3A_154 = arith.constant 65535 : i32
          %parallel_loop3A_155 = vector.broadcast %parallel_loop3A_154 : i32 to vector<16xi32>
          %parallel_loop3A_156 = arith.andi %parallel_loop3A_153, %parallel_loop3A_155 : vector<16xi32>
          %parallel_loop3A_157 = tpu.vector_load_idx %arg5[%parallel_loop3A_150] : memref<51200xf32, #tpu.memory_space<vmem>>[vector<16xi32>], vector<16xf32>,
          tpu.vector_store_idx %arg6[%parallel_loop3A_156], %parallel_loop3A_157 {add = true} : memref<51200xf32, #tpu.memory_space<vmem>>[vector<16xi32>], vector<16xf32>,
        } {sc.loop_unroll_factor = 16 : i64, sc.parallel_access}
        %scan3A_142 = arith.constant 0 : i32
        scf.yield %scan3A_142 : i32
      }
      %scan3A_96 = arith.constant 65 : i32
      %dma_wait3A_97 = arith.constant 0 : i32
      %dma_wait3A_98 = tpu.memref_slice %arg3[%dma_wait3A_97] : memref<3200000xi32, #tpu.memory_space<hbm>> -> memref<8192xi32, #tpu.memory_space<hbm>>
      %dma_wait3A_99 = arith.constant 0 : i32
      %dma_wait3A_100 = tpu.memref_slice %arg3[%dma_wait3A_99] : memref<3200000xi32, #tpu.memory_space<hbm>> -> memref<8192xi32, #tpu.memory_space<hbm>>
      tpu.wait_dma2 semaphore(%arg9 : memref<!tpu.dma_semaphore, #tpu.memory_space<semaphore_mem>>) src(%dma_wait3A_100 : memref<8192xi32, #tpu.memory_space<hbm>>) dst(%arg7 : memref<8192xi32, #tpu.memory_space<vmem>>)
      %sub3A_101 = arith.constant 512 : i32
      %sub3A_102 = arith.subi %sub3A_101, %select_n3A_64 : i32
      %parallel_loop3A_103 = arith.constant 512 : i32
      %parallel_loop3A_104 = arith.constant 1 : i32
      scf.for %parallel_loop3A_105 = %sub3A_102 to %parallel_loop3A_103 step %parallel_loop3A_104  : i32 {
        %parallel_loop3A_106 = arith.constant 16 : i32
        %parallel_loop3A_107 = arith.muli %parallel_loop3A_105, %parallel_loop3A_106 : i32
        %parallel_loop3A_108 = arith.index_cast %parallel_loop3A_107 : i32 to index
        %parallel_loop3A_109 = tpu.vector_load %arg7[%parallel_loop3A_108] {strides = array<i32>} : memref<8192xi32, #tpu.memory_space<vmem>>, vector<16xi32>,
        %parallel_loop3A_110 = arith.constant 65535 : i32
        %parallel_loop3A_111 = vector.broadcast %parallel_loop3A_110 : i32 to vector<16xi32>
        %parallel_loop3A_112 = arith.andi %parallel_loop3A_109, %parallel_loop3A_111 : vector<16xi32>
        %parallel_loop3A_113 = arith.constant 16 : i32
        %parallel_loop3A_114 = vector.broadcast %parallel_loop3A_113 : i32 to vector<16xi32>
        %parallel_loop3A_115 = arith.shrsi %parallel_loop3A_109, %parallel_loop3A_114 : vector<16xi32>
        %parallel_loop3A_116 = arith.constant 65535 : i32
        %parallel_loop3A_117 = vector.broadcast %parallel_loop3A_116 : i32 to vector<16xi32>
        %parallel_loop3A_118 = arith.andi %parallel_loop3A_115, %parallel_loop3A_117 : vector<16xi32>
        %parallel_loop3A_119 = tpu.vector_load_idx %arg5[%parallel_loop3A_112] : memref<51200xf32, #tpu.memory_space<vmem>>[vector<16xi32>], vector<16xf32>,
        tpu.vector_store_idx %arg6[%parallel_loop3A_118], %parallel_loop3A_119 {add = true} : memref<51200xf32, #tpu.memory_space<vmem>>[vector<16xi32>], vector<16xf32>,
      } {sc.loop_unroll_factor = 2 : i64, sc.parallel_access}
      "tpu.region"() ({
        %run_scoped3A = tpu.sem_alloc : memref<!tpu.dma_semaphore, #tpu.memory_space<semaphore_mem>>
        %dma_start3A_105 = arith.constant 0 : i32
        %dma_start3A_106 = tpu.memref_slice %arg4[%select_n3A, %select_n3A_33, %dma_start3A_105] : memref<10x3x51200xf32, #tpu.memory_space<hbm>> -> memref<1x1x51200xf32, #tpu.memory_space<hbm>>
        %dma_start3A_107 = tpu.memref_squeeze %dma_start3A_106 : memref<1x1x51200xf32, #tpu.memory_space<hbm>> -> memref<51200xf32, #tpu.memory_space<hbm>>
        %dma_start3A_108 = arith.constant 0 : i32
        %dma_start3A_109 = tpu.memref_slice %arg4[%select_n3A, %select_n3A_33, %dma_start3A_108] : memref<10x3x51200xf32, #tpu.memory_space<hbm>> -> memref<1x1x51200xf32, #tpu.memory_space<hbm>>
        %dma_start3A_110 = tpu.memref_squeeze %dma_start3A_109 : memref<1x1x51200xf32, #tpu.memory_space<hbm>> -> memref<51200xf32, #tpu.memory_space<hbm>>
        tpu.enqueue_dma source(%arg6 : memref<51200xf32, #tpu.memory_space<vmem>>) target(%dma_start3A_110 : memref<51200xf32, #tpu.memory_space<hbm>>) target_semaphore(%run_scoped3A : memref<!tpu.dma_semaphore, #tpu.memory_space<semaphore_mem>>)
        %dma_wait3A_111 = arith.constant 0 : i32
        %dma_wait3A_112 = tpu.memref_slice %arg4[%select_n3A, %select_n3A_33, %dma_wait3A_111] : memref<10x3x51200xf32, #tpu.memory_space<hbm>> -> memref<1x1x51200xf32, #tpu.memory_space<hbm>>
        %dma_wait3A_113 = tpu.memref_squeeze %dma_wait3A_112 : memref<1x1x51200xf32, #tpu.memory_space<hbm>> -> memref<51200xf32, #tpu.memory_space<hbm>>
        %dma_wait3A_114 = arith.constant 0 : i32
        %dma_wait3A_115 = tpu.memref_slice %arg4[%select_n3A, %select_n3A_33, %dma_wait3A_114] : memref<10x3x51200xf32, #tpu.memory_space<hbm>> -> memref<1x1x51200xf32, #tpu.memory_space<hbm>>
        %dma_wait3A_116 = tpu.memref_squeeze %dma_wait3A_115 : memref<1x1x51200xf32, #tpu.memory_space<hbm>> -> memref<51200xf32, #tpu.memory_space<hbm>>
        tpu.wait_dma2 semaphore(%run_scoped3A : memref<!tpu.dma_semaphore, #tpu.memory_space<semaphore_mem>>) src(%arg6 : memref<51200xf32, #tpu.memory_space<vmem>>) dst(%dma_wait3A_116 : memref<51200xf32, #tpu.memory_space<hbm>>)
        tpu.yield
      }) : () -> ()
    } else {
    }
    return
  }
}

module attributes {stable_mosaic.version = 14 : i64} {
  func.func @body(%arg0: i32, %arg1: memref<10x3x51200xf32, #tpu.memory_space<vmem>>, %arg2: memref<10x10xf32, #tpu.memory_space<vmem>>, %arg3: memref<10x51200xf32, #tpu.memory_space<vmem>>) attributes {dimension_semantics = [#tpu.dimension_semantics<arbitrary>], iteration_bounds = array<i64: 1>, scalar_prefetch = 0 : i64, scratch_operands = 0 : i64, tpu.core_type = #tpu.core_type<tc>, window_params = [{transform_indices = @transform_0, window_bounds = array<i64: 10, 3, 51200>}, {pipeline_mode = #tpu.pipeline_mode<synchronous>, transform_indices = @transform_1, window_bounds = array<i64: 10, 10>}, {transform_indices = @transform_2, window_bounds = array<i64: 10, 51200>}]} {
    %get3A = arith.constant 0 : index
    %get3A_0 = arith.constant 0 : index
    %get3A_1 = arith.constant 0 : index
    %get3A_2 = vector.load %arg1[%get3A, %get3A_0, %get3A_1] : memref<10x3x51200xf32, #tpu.memory_space<vmem>>, vector<10x3x51200xf32>
    %slice3A = vector.extract_strided_slice %get3A_2 {offsets = [0, 0, 0], sizes = [10, 1, 51200], strides = [1, 1, 1]} : vector<10x3x51200xf32> to vector<10x1x51200xf32>
    %squeeze3A = vector.shape_cast %slice3A : vector<10x1x51200xf32> to vector<10x51200xf32>
    %slice3A_3 = vector.extract_strided_slice %get3A_2 {offsets = [0, 1, 0], sizes = [10, 1, 51200], strides = [1, 1, 1]} : vector<10x3x51200xf32> to vector<10x1x51200xf32>
    %squeeze3A_4 = vector.shape_cast %slice3A_3 : vector<10x1x51200xf32> to vector<10x51200xf32>
    %add3A = arith.addf %squeeze3A, %squeeze3A_4 : vector<10x51200xf32>
    %slice3A_5 = vector.extract_strided_slice %get3A_2 {offsets = [0, 2, 0], sizes = [10, 1, 51200], strides = [1, 1, 1]} : vector<10x3x51200xf32> to vector<10x1x51200xf32>
    %squeeze3A_6 = vector.shape_cast %slice3A_5 : vector<10x1x51200xf32> to vector<10x51200xf32>
    %add3A_7 = arith.addf %add3A, %squeeze3A_6 : vector<10x51200xf32>
    %get3A_8 = arith.constant 0 : index
    %get3A_9 = arith.constant 0 : index
    %get3A_10 = vector.load %arg2[%get3A_8, %get3A_9] : memref<10x10xf32, #tpu.memory_space<vmem>>, vector<10x10xf32>
    %dot_general3A = arith.constant dense<0.000000e+00> : vector<10x51200xf32>
    %dot_general3A_11 = tpu.matmul %get3A_10, %add3A_7, %dot_general3A {dimension_numbers = #tpu.dot_dimension_numbers<[0], [0], [1], [1], [0, 1, 1, 1], [], []>, transpose_lhs_hint = false} : vector<10x10xf32>, vector<10x51200xf32>, vector<10x51200xf32> -> vector<10x51200xf32>
    %max3A = arith.constant 0.000000e+00 : f32
    %max3A_12 = vector.broadcast %max3A : f32 to vector<10x51200xf32>
    %max3A_13 = arith.maximumf %dot_general3A_11, %max3A_12 : vector<10x51200xf32>
    %mul3A = arith.mulf %max3A_13, %max3A_13 : vector<10x51200xf32>
    %reduce_sum3A = arith.constant dense<0.000000e+00> : vector<51200xf32>
    %reduce_sum3A_14 = vector.multi_reduction <add>, %mul3A, %reduce_sum3A [0] : vector<10x51200xf32> to vector<51200xf32>
    %broadcast_in_dim3A = vector.shape_cast %reduce_sum3A_14 : vector<51200xf32> to vector<1x51200xf32>
    %sqrt3A = math.sqrt %broadcast_in_dim3A : vector<1x51200xf32>
    %add3A_15 = arith.constant 1.000000e-15 : f32
    %add3A_16 = vector.broadcast %add3A_15 : f32 to vector<1x51200xf32>
    %add3A_17 = arith.addf %sqrt3A, %add3A_16 : vector<1x51200xf32>
    %div3A = arith.constant 1.000000e+00 : f32
    %div3A_18 = vector.broadcast %div3A : f32 to vector<1x51200xf32>
    %div3A_19 = arith.divf %div3A_18, %add3A_17 : vector<1x51200xf32>
    %mul3A_20 = vector.broadcast %div3A_19 : vector<1x51200xf32> to vector<10x51200xf32>
    %mul3A_21 = arith.mulf %max3A_13, %mul3A_20 : vector<10x51200xf32>
    %swap3A = arith.constant 0 : index
    %swap3A_22 = arith.constant 0 : index
    %swap3A_23 = vector.load %arg3[%swap3A, %swap3A_22] : memref<10x51200xf32, #tpu.memory_space<vmem>>, vector<10x51200xf32>
    tpu.vector_store %arg3[%swap3A, %swap3A_22], %mul3A_21 {strides = array<i32>} : memref<10x51200xf32, #tpu.memory_space<vmem>>, vector<10x51200xf32>,
    return
  }
  func.func @transform_0(%arg0: i32) -> (i32, i32, i32) {
    %c0_i32 = arith.constant 0 : i32
    %c0_i32_0 = arith.constant 0 : i32
    %c0_i32_1 = arith.constant 0 : i32
    return %c0_i32, %c0_i32_0, %arg0 : i32, i32, i32
  }
  func.func @transform_1(%arg0: i32) -> (i32, i32) {
    %c0_i32 = arith.constant 0 : i32
    %c0_i32_0 = arith.constant 0 : i32
    %c0_i32_1 = arith.constant 0 : i32
    return %c0_i32, %c0_i32_0 : i32, i32
  }
  func.func @transform_2(%arg0: i32) -> (i32, i32) {
    %c0_i32 = arith.constant 0 : i32
    %c0_i32_0 = arith.constant 0 : i32
    return %c0_i32, %arg0 : i32, i32
  }
}

module attributes {stable_mosaic.version = 14 : i64} {
  func.func @body(%arg0: i32, %arg1: memref<10x51200xf32, #tpu.memory_space<vmem>>, %arg2: memref<10x51200xf32, #tpu.memory_space<vmem>>) attributes {dimension_semantics = [#tpu.dimension_semantics<arbitrary>], iteration_bounds = array<i64: 1>, scalar_prefetch = 0 : i64, scratch_operands = 0 : i64, tpu.core_type = #tpu.core_type<tc>, window_params = [{pipeline_mode = #tpu.pipeline_mode<synchronous>, transform_indices = @transform_0, window_bounds = array<i64: 10, 51200>}, {pipeline_mode = #tpu.pipeline_mode<synchronous>, transform_indices = @transform_1, window_bounds = array<i64: 10, 51200>}]} {
    %get3A = arith.constant 0 : index
    %get3A_0 = arith.constant 0 : index
    %get3A_1 = vector.load %arg1[%get3A, %get3A_0] : memref<10x51200xf32, #tpu.memory_space<vmem>>, vector<10x51200xf32>
    %mul3A = arith.mulf %get3A_1, %get3A_1 : vector<10x51200xf32>
    %reduce_sum3A = arith.constant dense<0.000000e+00> : vector<51200xf32>
    %reduce_sum3A_2 = vector.multi_reduction <add>, %mul3A, %reduce_sum3A [0] : vector<10x51200xf32> to vector<51200xf32>
    %broadcast_in_dim3A = vector.shape_cast %reduce_sum3A_2 : vector<51200xf32> to vector<1x51200xf32>
    %sqrt3A = math.sqrt %broadcast_in_dim3A : vector<1x51200xf32>
    %add3A = arith.constant 1.000000e-15 : f32
    %add3A_3 = vector.broadcast %add3A : f32 to vector<1x51200xf32>
    %add3A_4 = arith.addf %sqrt3A, %add3A_3 : vector<1x51200xf32>
    %div3A = arith.constant 1.000000e+00 : f32
    %div3A_5 = vector.broadcast %div3A : f32 to vector<1x51200xf32>
    %div3A_6 = arith.divf %div3A_5, %add3A_4 : vector<1x51200xf32>
    %mul3A_7 = vector.broadcast %div3A_6 : vector<1x51200xf32> to vector<10x51200xf32>
    %mul3A_8 = arith.mulf %get3A_1, %mul3A_7 : vector<10x51200xf32>
    %swap3A = arith.constant 0 : index
    %swap3A_9 = arith.constant 0 : index
    %swap3A_10 = vector.load %arg2[%swap3A, %swap3A_9] : memref<10x51200xf32, #tpu.memory_space<vmem>>, vector<10x51200xf32>
    tpu.vector_store %arg2[%swap3A, %swap3A_9], %mul3A_8 {strides = array<i32>} : memref<10x51200xf32, #tpu.memory_space<vmem>>, vector<10x51200xf32>,
    return
  }
  func.func @transform_0(%arg0: i32) -> (i32, i32) {
    %c0_i32 = arith.constant 0 : i32
    %c0_i32_0 = arith.constant 0 : i32
    %c0_i32_1 = arith.constant 0 : i32
    return %c0_i32, %c0_i32_0 : i32, i32
  }
  func.func @transform_1(%arg0: i32) -> (i32, i32) {
    %c0_i32 = arith.constant 0 : i32
    %c0_i32_0 = arith.constant 0 : i32
    %c0_i32_1 = arith.constant 0 : i32
    return %c0_i32, %c0_i32_0 : i32, i32
  }
}

module attributes {stable_mosaic.version = 14 : i64} {
  func.func @body(%arg0: i32, %arg1: memref<10x3x51200xf32, #tpu.memory_space<vmem>>, %arg2: memref<10x10xf32, #tpu.memory_space<vmem>>, %arg3: memref<10x51200xf32, #tpu.memory_space<vmem>>) attributes {dimension_semantics = [#tpu.dimension_semantics<arbitrary>], iteration_bounds = array<i64: 1>, scalar_prefetch = 0 : i64, scratch_operands = 0 : i64, tpu.core_type = #tpu.core_type<tc>, window_params = [{pipeline_mode = #tpu.pipeline_mode<synchronous>, transform_indices = @transform_0, window_bounds = array<i64: 10, 3, 51200>}, {pipeline_mode = #tpu.pipeline_mode<synchronous>, transform_indices = @transform_1, window_bounds = array<i64: 10, 10>}, {pipeline_mode = #tpu.pipeline_mode<synchronous>, transform_indices = @transform_2, window_bounds = array<i64: 10, 51200>}]} {
    %get3A = arith.constant 0 : index
    %get3A_0 = arith.constant 0 : index
    %get3A_1 = arith.constant 0 : index
    %get3A_2 = vector.load %arg1[%get3A, %get3A_0, %get3A_1] : memref<10x3x51200xf32, #tpu.memory_space<vmem>>, vector<10x3x51200xf32>
    %slice3A = vector.extract_strided_slice %get3A_2 {offsets = [0, 0, 0], sizes = [10, 1, 51200], strides = [1, 1, 1]} : vector<10x3x51200xf32> to vector<10x1x51200xf32>
    %squeeze3A = vector.shape_cast %slice3A : vector<10x1x51200xf32> to vector<10x51200xf32>
    %slice3A_3 = vector.extract_strided_slice %get3A_2 {offsets = [0, 1, 0], sizes = [10, 1, 51200], strides = [1, 1, 1]} : vector<10x3x51200xf32> to vector<10x1x51200xf32>
    %squeeze3A_4 = vector.shape_cast %slice3A_3 : vector<10x1x51200xf32> to vector<10x51200xf32>
    %add3A = arith.addf %squeeze3A, %squeeze3A_4 : vector<10x51200xf32>
    %slice3A_5 = vector.extract_strided_slice %get3A_2 {offsets = [0, 2, 0], sizes = [10, 1, 51200], strides = [1, 1, 1]} : vector<10x3x51200xf32> to vector<10x1x51200xf32>
    %squeeze3A_6 = vector.shape_cast %slice3A_5 : vector<10x1x51200xf32> to vector<10x51200xf32>
    %add3A_7 = arith.addf %add3A, %squeeze3A_6 : vector<10x51200xf32>
    %get3A_8 = arith.constant 0 : index
    %get3A_9 = arith.constant 0 : index
    %get3A_10 = vector.load %arg2[%get3A_8, %get3A_9] : memref<10x10xf32, #tpu.memory_space<vmem>>, vector<10x10xf32>
    %dot_general3A = arith.constant dense<0.000000e+00> : vector<10x51200xf32>
    %dot_general3A_11 = tpu.matmul %get3A_10, %add3A_7, %dot_general3A {dimension_numbers = #tpu.dot_dimension_numbers<[0], [0], [1], [1], [0, 1, 1, 1], [], []>, transpose_lhs_hint = false} : vector<10x10xf32>, vector<10x51200xf32>, vector<10x51200xf32> -> vector<10x51200xf32>
    %max3A = arith.constant 0.000000e+00 : f32
    %max3A_12 = vector.broadcast %max3A : f32 to vector<10x51200xf32>
    %max3A_13 = arith.maximumf %dot_general3A_11, %max3A_12 : vector<10x51200xf32>
    %reduce_max3A = arith.constant dense<0xFF800000> : vector<51200xf32>
    %reduce_max3A_14 = vector.multi_reduction <maximumf>, %max3A_13, %reduce_max3A [0] : vector<10x51200xf32> to vector<51200xf32>
    %broadcast_in_dim3A = vector.shape_cast %reduce_max3A_14 : vector<51200xf32> to vector<1x51200xf32>
    %sub3A = vector.broadcast %broadcast_in_dim3A : vector<1x51200xf32> to vector<10x51200xf32>
    %sub3A_15 = arith.subf %max3A_13, %sub3A : vector<10x51200xf32>
    %exp3A = math.exp %sub3A_15 : vector<10x51200xf32>
    %reduce_sum3A = arith.constant dense<0.000000e+00> : vector<51200xf32>
    %reduce_sum3A_16 = vector.multi_reduction <add>, %exp3A, %reduce_sum3A [0] : vector<10x51200xf32> to vector<51200xf32>
    %broadcast_in_dim3A_17 = vector.shape_cast %reduce_sum3A_16 : vector<51200xf32> to vector<1x51200xf32>
    %div3A = vector.broadcast %broadcast_in_dim3A_17 : vector<1x51200xf32> to vector<10x51200xf32>
    %div3A_18 = arith.divf %exp3A, %div3A : vector<10x51200xf32>
    %swap3A = arith.constant 0 : index
    %swap3A_19 = arith.constant 0 : index
    %swap3A_20 = vector.load %arg3[%swap3A, %swap3A_19] : memref<10x51200xf32, #tpu.memory_space<vmem>>, vector<10x51200xf32>
    tpu.vector_store %arg3[%swap3A, %swap3A_19], %div3A_18 {strides = array<i32>} : memref<10x51200xf32, #tpu.memory_space<vmem>>, vector<10x51200xf32>,
    return
  }
  func.func @transform_0(%arg0: i32) -> (i32, i32, i32) {
    %c0_i32 = arith.constant 0 : i32
    %c0_i32_0 = arith.constant 0 : i32
    %c0_i32_1 = arith.constant 0 : i32
    %c0_i32_2 = arith.constant 0 : i32
    return %c0_i32, %c0_i32_0, %c0_i32_1 : i32, i32, i32
  }
  func.func @transform_1(%arg0: i32) -> (i32, i32) {
    %c0_i32 = arith.constant 0 : i32
    %c0_i32_0 = arith.constant 0 : i32
    %c0_i32_1 = arith.constant 0 : i32
    return %c0_i32, %c0_i32_0 : i32, i32
  }
  func.func @transform_2(%arg0: i32) -> (i32, i32) {
    %c0_i32 = arith.constant 0 : i32
    %c0_i32_0 = arith.constant 0 : i32
    %c0_i32_1 = arith.constant 0 : i32
    return %c0_i32, %c0_i32_0 : i32, i32
  }
}

</mosaic_0001>

<sc_bundles>
// kernel: kernel.10.cloned.1.call-start
scs
__scs_entry_jumppad:
0x0: {  	(pc) =	sbr.rel $0x88, $3  }
0x1: {  	(tag) =	ssettag $0x0;
	lr =	simm.s32 $0x1  }
0x2: {  	[smem:$0x3F9D] =	sst lr;
	_ =	strace $0xD0000000  }
0x3: {  	_ = 	snop  }
0x4: {  	_ = 	snop  }
0x5: {  	_ = 	snop  }
0x6: {  	_ = 	snop  }
0x7: {  	_ = 	snop  }
__scs_overlays_trampoline_lowered:
0x8: {  	[smem:$0x3FAC] =	sst s0  }
0x9: {  	[smem:$0x3FAD] =	sst s1  }
0xa: {  	[smem:$0x3FAE] =	sst s2  }
0xb: {  	[smem:$0x3FAF] =	sst s3  }
0xc: {  	[smem:$0x3FB0] =	sst s4  }
0xd: {  	[smem:$0x3FB1] =	sst s5  }
0xe: {  	[smem:$0x3FB2] =	sst s6  }
0xf: {  	[smem:$0x3FB3] =	sst s7  }
0x10: {  	[smem:$0x3FB4] =	sst s8  }
0x11: {  	[smem:$0x3FB5] =	sst s9;
	s0 =	simm.s32 @!p0 $0x0  }
0x12: {  	s1 =	sld [smem:$0x3F9B];
	s0 =	simm.s32 @p0 $0x1  }
0x13: {  	[smem:$0x3FB6] =	sst s0;
	s0 =	simm.s32 @!p1 $0x0  }
0x14: {  	s2 =	sld [smem:$0x3F9A];
	s0 =	simm.s32 @p1 $0x1  }
0x15: {  	[smem:$0x3FB7] =	sst s0;
	s0 =	simm.s32 @!p2 $0x0  }
0x16: {  	s3 =	sld [smem:$0x3FDB];
	s0 =	simm.s32 @p2 $0x1  }
0x17: {  	s4 =	simm.s32 $0x1BF5;
	[smem:$0x3FB9] =	sst s0  }
0x18: {  	s0 =	sld [smem:$0x3F9C];
	_ =	swait.ge [sflag:s4], $0x0  }
0x19: {  	s7 =	sld [smem:$0x3F9D]  }
0x1a: {  	s8 =	sadd.s32 $0xFFFFE003, lr  }
0x1b: {  	s9 =	sadd.s32 $0xFFFFFEF7, lr;
	s5 =	simm.s32 $0xFFFFFFFF;
	p2 =	slt.u32 s8, $0xFFFFF086  }
0x1c: {  	p1 =	slt.u32 s9, $0xF7A;
	s5 =	simm.s32 @!p2 $0x0  }
0x1d: {  	s5 =	simm.s32 @p1 $0x1;
	p0 =	seq.s32 s7, s2  }
0x1e: {  	s7 =	smul.u32 @!p0 $0xF7A, s2;
	p2 =	seq.s32 @!p0 s5, $0x0  }
0x1f: {  	s9 =	smul.u32 $0xF7A, s1;
	s8 =	simm.s32 @!p0 $0x1BF5;
	p2 =	por !p2, p0  }
0x20: {  	[sflag:s8] =	ssyncset.s32 @!p0 $0xFFFFF086;
	s6 =	sadd.s32 @!p0 s3, s7;
	s7 =	simm.s32 @!p0 $0x108  }
0x21: {  	s3 =	sadd.s32 s3, s9;
	s6 =	sadd.s32 @!p0 $0x88, s6;
	s7 =	simm.s32 @p2 $0x1082  }
0x22: {  	[simem:s7], [sflag:s8] =	dma.local @!p0 [hbm:s6], $0xF7A  }
0x23: {  	s9 =	sor.u32 $0xD0000000, s2;
	s6 =	simm.s32 $0x108;
	_ =	swait.ge @!p0 [sflag:s8], $0x0  }
0x24: {  	s3 =	sadd.s32 $0x88, s3;
	s6 =	simm.s32 @!p1 $0x1082;
	[sflag:s4] =	ssyncset.s32 $0xFFFFF086  }
0x25: {  	[simem:s6], [sflag:s4] =	dma.local [hbm:s3], $0xF7A  }
0x26: {  	[smem:$0x3F9D] =	sst s1;
	(tag) =	ssettag s2;
	_ =	strace s9  }
0x27: {  	s1 =	sld [smem:$0x3FAD]  }
0x28: {  	s2 =	sld [smem:$0x3FAE]  }
0x29: {  	s4 =	sld [smem:$0x3FB0]  }
0x2a: {  	p0 =	seq.s32 s5, $0x0;
	s5 =	sld [smem:$0x3FB1]  }
0x2b: {  	s6 =	sld [smem:$0x3FB2]  }
0x2c: {  	s7 =	sld [smem:$0x3FB3]  }
0x2d: {  	s3 =	simm.s32 $0x108;
	s8 =	sld [smem:$0x3FB4]  }
0x2e: {  	s3 =	simm.s32 @!p0 $0x1082;
	s9 =	sld [smem:$0x3FB5]  }
0x2f: {  	lr =	sadd.s32 s0, s3;
	s0 =	sld [smem:$0x3FAC]  }
0x30: {  	s3 =	sld [smem:$0x3FAF]  }
0x31: {  	[smem:$0x3FB8] =	sst s10  }
0x32: {  	s10 =	sld [smem:$0x3FB6];
	_ =	sdelay $0x3  }
0x33: {  	p0 =	seq.s32 s10, $0x1;
	s10 =	sld [smem:$0x3FB8];
	_ =	sdelay $0x3  }
0x34: {  	[smem:$0x3FB8] =	sst s10  }
0x35: {  	s10 =	sld [smem:$0x3FB7];
	_ =	sdelay $0x3  }
0x36: {  	p1 =	seq.s32 s10, $0x1;
	s10 =	sld [smem:$0x3FB8];
	_ =	sdelay $0x3  }
0x37: {  	[smem:$0x3FB8] =	sst s10  }
0x38: {  	s10 =	sld [smem:$0x3FB9]  }
0x39: {  	_ = 	snop;
	(pc) =	sbr.ind lr, $3  }
0x3a: {  	_ = 	snop  }
0x3b: {  	_ = 	snop  }
0x3c: {  	p2 =	seq.s32 s10, $0x1;
	s10 =	sld [smem:$0x3FB8]  }
0x3d: {  	_ =	shalt  }
0x3e: {  	_ =	shalt  }
0x3f: {  	_ =	shalt  }
0x40: {  	_ =	shalt  }
0x41: {  	_ =	shalt  }
0x42: {  	_ =	shalt  }
0x43: {  	_ =	shalt  }
0x44: {  	_ =	shalt  }
0x45: {  	_ =	shalt  }
0x46: {  	_ =	shalt  }
0x47: {  	_ =	shalt  }
0x48: {  	_ =	shalt  }
0x49: {  	_ =	shalt  }
0x4a: {  	_ =	shalt  }
0x4b: {  	_ =	shalt  }
0x4c: {  	_ =	shalt  }
0x4d: {  	_ =	shalt  }
0x4e: {  	_ =	shalt  }
0x4f: {  	_ =	shalt  }
0x50: {  	_ =	shalt  }
0x51: {  	_ =	shalt  }
0x52: {  	_ =	shalt  }
0x53: {  	_ =	shalt  }
0x54: {  	_ =	shalt  }
0x55: {  	_ =	shalt  }
0x56: {  	_ =	shalt  }
0x57: {  	_ =	shalt  }
0x58: {  	_ =	shalt  }
0x59: {  	_ =	shalt  }
0x5a: {  	_ =	shalt  }
0x5b: {  	_ =	shalt  }
0x5c: {  	_ =	shalt  }
0x5d: {  	_ =	shalt  }
0x5e: {  	_ =	shalt  }
0x5f: {  	_ =	shalt  }
0x60: {  	_ =	shalt  }
0x61: {  	_ =	shalt  }
0x62: {  	_ =	shalt  }
0x63: {  	_ =	shalt  }
0x64: {  	_ =	shalt  }
0x65: {  	_ =	shalt  }
0x66: {  	_ =	shalt  }
0x67: {  	_ =	shalt  }
0x68: {  	_ =	shalt  }
0x69: {  	_ =	shalt  }
0x6a: {  	_ =	shalt  }
0x6b: {  	_ =	shalt  }
0x6c: {  	_ =	shalt  }
0x6d: {  	_ =	shalt  }
0x6e: {  	_ =	shalt  }
0x6f: {  	_ =	shalt  }
0x70: {  	_ =	shalt  }
0x71: {  	_ =	shalt  }
0x72: {  	_ =	shalt  }
0x73: {  	_ =	shalt  }
0x74: {  	_ =	shalt  }
0x75: {  	_ =	shalt  }
0x76: {  	_ =	shalt  }
0x77: {  	_ =	shalt  }
0x78: {  	_ =	shalt  }
0x79: {  	_ =	shalt  }
0x7a: {  	_ =	shalt  }
0x7b: {  	_ =	shalt  }
0x7c: {  	_ =	shalt  }
0x7d: {  	_ =	shalt  }
0x7e: {  	_ =	shalt  }
0x7f: {  	_ =	shalt  }
0x80: {  	_ =	shalt  }
0x81: {  	_ =	shalt  }
0x82: {  	_ =	shalt  }
0x83: {  	_ =	shalt  }
0x84: {  	_ =	shalt  }
0x85: {  	_ =	shalt  }
0x86: {  	_ =	shalt  }
0x87: {  	_ =	shalt  }
.Lfunc_end0:
.L_simem_size_0:
called_computation.1_lowered:
.L_overlay_start_0:
0x88: {  	s2 =	sld [smem:$0x3FD9]  }
0x89: {  	s3 =	sld [smem:$0x3FFE];
	_ =	sdelay $0x1  }
0x8a: {  	s1 =	srdreg.scid  }
0x8b: {  	s0 =	sand.u32 $0x1, s1  }
0x8c: {  	s16 =	sshll.u32 s0, $0xA;
	s2 =	sadd.s32 s3, s2  }
0x8d: {  	s2 =	sadd.s32 s2, s16  }
0x8e: {  	[smem:$0x3FC4] =	sst s2  }
0x8f: {  	_ = 	snop  }
0x90: {  	(tm) =	ssettm $0x1  }
0x91: {  	s17 =	sld [smem:$0x3FFB];
	_ =	sdelay $0x3  }
0x92: {  	_ =	strace s17  }
0x93: {  	s2 =	sld [smem:$0x3FFC];
	_ =	sdelay $0x3  }
0x94: {  	_ =	strace s2  }
0x95: {  	s2 =	sld [smem:$0x3FFD];
	_ =	sdelay $0x3  }
0x96: {  	_ =	strace s2  }
0x97: {  	_ =	strace $0x8FFFFFFF  }
0x98: {  	s18 =	sld [smem:$0x3FDB];
	_ =	sdelay $0x1  }
0x99: {  	s19 =	simm.s32 $_scs_section_size  }
0x9a: {  	s4 =	simm.s32 $_size__tile_overlayer_lowered;
	s5 =	simm.s32 $_tile_overlayer_lowered  }
0x9b: {  	s22 =	simm.s32 $0x1BFF;
	s21 =	sshll.u32 s5, $0x1;
	s2 =	sadd.s32 s19, s18  }
0x9c: {  	s6 =	simm.s32 $0x0;
	s20 =	sshll.u32 s4, $0x1;
	s4 =	sadd.s32 s21, s2  }
0x9d: {  	[timem:s6], [sflag:s22] =	dma.local [hbm:s4], s20  }
0x9e: {  	_ =	swait.ge [sflag:s22], s20  }
0x9f: {  	s3 =	ssub.s32 $0x0, s20;
	[sflag:s22] =	ssyncset.done $0x0  }
0xa0: {  	[sflag:s22] =	ssyncadd.s32 s3;
	_ =	sdelay $0x1  }
0xa1: {  	s23 =	simm.s32 $0x1B8B  }
0xa2: {  	_ =	swait.ge [sflag:s23], $0x1  }
0xa3: {  	[sflag:s23] =	ssyncset.done $0x0  }
0xa4: {  	s25 =	simm.s32 $0x1B8E;
	s24 =	sld [smem:$0x3FFE];
	[sflag:s23] =	ssyncadd.s32 $0xFFFFFFFF  }
0xa5: {  	s26 =	simm.s32 $execute0_lowered;
	[smem:$0x3FD2] =	sst s25  }
0xa6: {  	s4 =	sshll.u32 s26, $0x1;
	_ =	strace $0x80000049;
	[dreg:$0x1] =	wrdreg $0xFFFFFFFF  }
0xa7: {  	s28 =	simm.s32 $_size_execute0_lowered;
	s2 =	sadd.s32 s2, s4;
	[dreg:$0x0] =	wrdreg $0x0  }
0xa8: {  	s4 =	sshll.u32 s28, $0x1;
	[dreg:$0x2] =	wrdreg s2  }
0xa9: {  	[dreg:$0x3] =	wrdreg s4  }
0xaa: {  	[dreg:$0x4] =	wrdreg $0xC0  }
0xab: {  	_ =	task [dreg:s6], $0x5FFFF  }
0xac: {  	[dreg:$0x1] =	wrdreg $0xFFFFFFFF  }
0xad: {  	[dreg:$0x0] =	wrdreg $0x60  }
0xae: {  	[dreg:$0x2] =	wrdreg s24  }
0xaf: {  	[dreg:$0x3] =	wrdreg $0x9  }
0xb0: {  	_ =	task.clear_ibuf [dreg:s6], $0x4FFFF;
	_ =	strace $0x90000049  }
0xb1: {  	s29 =	simm.s32 $0x9;
	_ =	strace $0x8000004B  }
0xb2: {  	_ =	swait.ge [sflag:s29], $0x1  }
0xb3: {  	[sflag:s29] =	ssyncadd.s32 $0xFFFFFFFF  }
0xb4: {  	_ =	strace $0x9000004B  }
0xb5: {  	_ =	sfence  }
0xb6: {  	s30 =	sld [smem:$0x0];
	_ =	sdelay $0x2  }
0xb7: {  	s31 =	sshll.u32 s1, $0xD;
	s1 =	sshrl.u32 s1, $0x2  }
0xb8: {  	s3 =	sand.u32 $0x4000, s31;
	s1 =	sadd.s32 s1, s30  }
0xb9: {  	s0 =	sor.u32 s3, s0;
	s1 =	sshll.u32 s1, $0x11  }
0xba: {  	s0 =	sor.u32 s1, s0  }
0xbb: {  	s0 =	sadd.s32 $0x8F2B, s0  }
0xbc: {  	[sflag:s0] =	ssyncadd.remote.s32 $0x1  }
0xbd: {  	_ =	sfence.sel $0xFFFF  }
0xbe: {  	[dreg:$0x0] =	wrdreg $0xFFFFFFFF;
	(pc) =	sbr.abs _section_cstart, $3  }
0xbf: {  	[dreg:$0x1] =	wrdreg $0xFFFFFFFF  }
0xc0: {  	_ =	task.clear_ibuf [dreg:s6], $0x2FFFF;
	_ =	strace $0x9FFFFFFF  }
0xc1: {  	(tm) =	ssettm $0x7FFFFFFF  }
tec
execute0_lowered:
.L_overlay_start_1:
0x0: {  	(tag) =	ssettag $0x1  }
0x1: {  	s1 =	stileid.u32  }
0x2: {  	p0 =	seq.s32 s1, $0xF  }
.Ltmp0:
0x3: {  	_ = 	snop;
	(pc) =	sbr.rel @!p0 .LBB2_1-.Ltmp0, $4  }
0x4: {  	_ = 	snop  }
0x5: {  	s5 =	rddreg [dreg:$0x0];
	s2 =	simm.s32 $0x0  }
0x6: {  	[smem:$0x7FF] =	sst s2  }
0x7: {  	s0 =	rddreg [dreg:$0x1];
	_ =	strace $0x8000004A  }
.LBB2_19:
0x8: {  	_ =	sfence.sel $0x180000  }
0x9: {  	[bflag:$0x0] =	sbarrier.arrive $0xFFFF  }
0xa: {  	p0 =	sne.s32 s1, $0x0;
	_ =	strace $0x9000004A  }
0xb: {  	s0 =	sadd.s32 @!p0 $0x100000, s0;
	[bflag:$0x2] =	sbarrier.arrive $0xFFFF  }
0xc: {  	[sflag:s0] =	ssyncadd.tile.s32 @!p0 $0x1;
	_ =	shalt  }
.LBB2_1:
0xd: {  	s3 =	srdreg.scid  }
0xe: {  	s25 =	sshll.u32 s1, $0x1;
	s11 =	sand.u32 $0x1, s3  }
0xf: {  	s3 =	sor.u32 s11, s25  }
0x10: {  	s4 =	smul.u32 $0x56, s3  }
0x11: {  	s12 =	sadd.s32 $0x1400, s5;
	s18 =	simm.s32 $0x1B000  }
0x12: {  	s19 =	simm.s32 $0xC800;
	s20 =	simm.s32 $0x2;
	s10 =	sshrl.u32 s4, $0x8  }
0x13: {  	s21 =	simm.s32 $0x200;
	s11 =	ssub.s32 $0x2, s11;
	s4 =	smul.u32 $0x3, s10  }
0x14: {  	s22 =	simm.s32 $0x3;
	s23 =	simm.s32 $0x0;
	s31 =	sshrl.u32 s11, $0x1  }
0x15: {  	s6 =	smul.u32 $0x32000, s10;
	s16 =	sshrl.u32 s10, $0x3;
	s3 =	ssub.s32 s3, s4  }
0x16: {  	s17 =	sshll.u32 s10, $0x7;
	s16 =	smul.u32 $0x64000, s16;
	s4 =	sand.u32 $0xFF, s3  }
0x17: {  	s30 =	sand.u32 $0x380, s17;
	s3 =	smul.u32 $0x1046B0, s4;
	s7 =	sshll.u32 s4, $0x7  }
0x18: {  	s17 =	simm.s32 $0x19000;
	s4 =	sadd.s32 $0x1A400, s5;
	s6 =	sor.u32 s7, s6  }
0x19: {  	s26 =	ssub.s32 $0x30D400, s3;
	s6 =	sshrl.u32 s6, $0x3;
	s28 =	sshrl.u32 s3, $0x3  }
0x1a: {  	s13 =	smin.u32 s26, $0x1046B0;
	s14 =	sadd.s32 s6, s5;
	s5 =	sadd.s32 s4, s28  }
0x1b: {  	s29 =	sadd.s32 $0xFFEFC000, s13;
	s6 =	sadd.s32 $0xFFFFE000, s13;
	s7 =	sadd.s32 $0x400, s5  }
0x1c: {  	s10 =	sadd.s32 $0x7C000, s14;
	s14 =	sor.u32 s30, s16;
	s13 =	sshll.u32 s13, $0x2  }
0x1d: {  	s16 =	simm.s32 $0x1;
	s9 =	sshrl.u32 s29, $0x4;
	s14 =	sshrl.u32 s14, $0x3  }
0x1e: {  	s13 =	ssub.s32 $0x418040, s13;
	s8 =	ssub.s32 $0x200, s9;
	s15 =	sand.u32 $0x1, s9  }
0x1f: {  	s13 =	sshra.s32 s13, $0x2;
	s9 =	ssub.s32 $0x200, s15;
	p0 =	seq.s32 s15, $0x1  }
0x20: {  	s15 =	ssub.s32 s11, s31;
	s11 =	sadd.s32 s12, s14;
	s13 =	sadd.s32 $0x19000, s13  }
0x21: {  	v0 =	vimm.f32 $0.0e+00;
	s14 =	simm.s32 $0x80;
	s12 =	smax.u32 s15, $0x1;
	s15 =	simm.s32 $0x400  }
.LBB2_2:
0x22: {  	[tilespmem:s2], [sflag:$0x1] =	stream.strided.gather [hbm4b:s11+s14], $0xC800, s15, s14, $0x38;
	[tilespmem:$0x1D000] =	vst v63  }
0x23: {  	s24 =	simm.s32 $0xC820  }
0x24: {  	[tilespmem:s24+$0xFFFFFFE0] =	vst v0  }
0x25: {  	[tilespmem:s24+$0x10] =	vst v0  }
0x26: {  	s25 =	simm.s32 $0x0;
	[tilespmem:s24+$0x0] =	vst v0  }
.LBB2_3:
0x27: {  	s25 =	sadd.s32 $0x4, s25  }
0x28: {  	[tilespmem:s24+$0xFFFFFFF0] =	vst v0;
	s24 =	sadd.s32 $0x40, s24;
	p1 =	slt.u32 s25, $0xC7C  }
.Ltmp1:
0x29: {  	[tilespmem:s24+$0xFFFFFFE0] =	vst v0;
	(pc) =	sbr.rel @p1 .LBB2_3-.Ltmp1, $3  }
0x2a: {  	_ =	sdelay $0x1  }
0x2b: {  	[tilespmem:s24+$0x10] =	vst v0  }
0x2c: {  	[tilespmem:s24+$0x0] =	vst v0  }
0x2d: {  	[tilespmem:s24+$0xFFFFFFF0] =	vst v0  }
0x2e: {  	_ =	swait.ge [sflag:s16], $0xC800  }
0x2f: {  	[sflag:s16] =	ssyncset.done $0x0  }
0x30: {  	s24 =	simm.s32 $0x0;
	[sflag:s16] =	ssyncadd.s32 $0xFFFF3800  }
0x31: {  	[tilespmem:s17], [sflag:$0x1] =	stream.linear.gather [hbm4b:s5+s24], $0x2000, $0x38;
	[tilespmem:$0x1D000] =	vst v63  }
0x32: {  	_ = 	snop  }
0x33: {  	[tilespmem:s18], [sflag:$0x2] =	stream.linear.gather [hbm4b:s7+s24], $0x2000, $0x38;
	[tilespmem:$0x1D000] =	vst v63  }
.LBB2_5:
0x34: {  	s25 =	sshll.u32 s24, $0xE  }
0x35: {  	s26 =	sadd.s32 $0x4000, s25  }
0x36: {  	s28 =	smov.u32 s6;
	p1 =	slt.s32 s26, s6  }
0x37: {  	s28 =	smov.u32 @p1 s26  }
0x38: {  	_ =	swait.ge [sflag:s16], $0x2000;
	s26 =	sadd.s32 s3, s28  }
0x39: {  	[sflag:s16] =	ssyncset.done $0x0;
	s26 =	sshrl.u32 s26, $0x3  }
0x3a: {  	[sflag:s16] =	ssyncadd.s32 $0xFFFFE000;
	s26 =	sadd.s32 s4, s26  }
0x3b: {  	[tilespmem:s17], [sflag:$0x1] =	stream.linear.gather [hbm4b:s26+s2], $0x2000, $0x38;
	[tilespmem:$0x1D000] =	vst v63  }
0x3c: {  	s26 =	simm.s32 $0x19080  }
0x3d: {  	v11 =	vld [tilespmem:s26+$0xFFFFFF90]  }
0x3e: {  	v4 =	vld [tilespmem:s26+$0xFFFFFFC0]  }
0x3f: {  	v3 =	vld [tilespmem:s26+$0xFFFFFFD0]  }
0x40: {  	v2 =	vld [tilespmem:s26+$0xFFFFFFE0]  }
0x41: {  	v14 =	vld [tilespmem:s26+$0xFFFFFFF0]  }
0x42: {  	v5 =	vld [tilespmem:s26+$0xFFFFFF80]  }
0x43: {  	v6 =	vld [tilespmem:s26+$0x70]  }
0x44: {  	v7 =	vld [tilespmem:s26+$0x60]  }
0x45: {  	v8 =	vld [tilespmem:s26+$0x50]  }
0x46: {  	v1 =	vld [tilespmem:s26+$0xFFFFFFA0]  }
0x47: {  	v10 =	vld [tilespmem:s26+$0x40]  }
0x48: {  	v12 =	vld [tilespmem:s26+$0x30];
	v9 =	vand.u32 $0xFFFF, v5  }
0x49: {  	v15 =	vld [tilespmem:s26+$0x20];
	v13 =	vand.u32 $0xFFFF, v6  }
0x4a: {  	v17 =	vld [tilespmem:s26+$0x10];
	v16 =	vand.u32 $0xFFFF, v7  }
0x4b: {  	v19 =	vld [tilespmem:s26+$0x0];
	v18 =	vand.u32 $0xFFFF, v8  }
0x4c: {  	v22 =	vld [tilespmem:s26+$0xFFFFFFB0];
	v20 =	vand.u32 $0xFFFF, v10  }
0x4d: {  	v5 =	vshrl.u32 v5, $0x10;
	v9 =	vld.idx.msk [tilespmem:v9+s2+$0x0], $0xffff  }
0x4e: {  	v21 =	vand.u32 $0xFFFF, v15;
	v13 =	vld.idx.msk [tilespmem:v13+s2+$0x0], $0xffff  }
0x4f: {  	v6 =	vshrl.u32 v6, $0x10;
	v16 =	vld.idx.msk [tilespmem:v16+s2+$0x0], $0xffff  }
0x50: {  	v7 =	vshrl.u32 v7, $0x10;
	v18 =	vld.idx.msk [tilespmem:v18+s2+$0x0], $0xffff  }
0x51: {  	v23 =	vand.u32 $0xFFFF, v12;
	v20 =	vld.idx.msk [tilespmem:v20+s2+$0x0], $0xffff  }
0x52: {  	v8 =	vshrl.u32 v8, $0x10;
	[tilespmem:v5+s19+$0x0] =	vst.idx.add.f32.msk $0xffff, v9  }
0x53: {  	v5 =	vand.u32 $0xFFFF, v19;
	v9 =	vld.idx.msk [tilespmem:v21+s2+$0x0], $0xffff  }
0x54: {  	v62 =	vand.u32 $0xFFFF, v14;
	[tilespmem:v6+s19+$0x0] =	vst.idx.add.f32.msk $0xffff, v13  }
0x55: {  	v6 =	vand.u32 $0xFFFF, v17;
	[tilespmem:v7+s19+$0x0] =	vst.idx.add.f32.msk $0xffff, v16  }
0x56: {  	v7 =	vshrl.u32 v10, $0x10;
	v10 =	vld.idx.msk [tilespmem:v23+s2+$0x0], $0xffff  }
0x57: {  	v16 =	vand.u32 $0xFFFF, v3;
	[tilespmem:v8+s19+$0x0] =	vst.idx.add.f32.msk $0xffff, v18  }
0x58: {  	v8 =	vld.idx.msk [tilespmem:v5+s2+$0x0], $0xffff;
	v5 =	vshrl.u32 v15, $0x10;
	v15 =	vshrl.u32 v12, $0x10  }
0x59: {  	v18 =	vand.u32 $0xFFFF, v4;
	v13 =	vld.idx.msk [tilespmem:v62+s2+$0x0], $0xffff  }
0x5a: {  	v12 =	vld.idx.msk [tilespmem:v6+s2+$0x0], $0xffff  }
0x5b: {  	v63 =	vand.u32 $0xFFFF, v2;
	[tilespmem:v7+s19+$0x0] =	vst.idx.add.f32.msk $0xffff, v20  }
0x5c: {  	v20 =	vand.u32 $0xFFFF, v22;
	v6 =	vld.idx.msk [tilespmem:v16+s2+$0x0], $0xffff  }
0x5d: {  	[tilespmem:v15+s19+$0x0] =	vst.idx.add.f32.msk $0xffff, v10;
	v15 =	vshrl.u32 v14, $0x10  }
0x5e: {  	v7 =	vld.idx.msk [tilespmem:v18+s2+$0x0], $0xffff;
	v16 =	vshrl.u32 v19, $0x10  }
0x5f: {  	v2 =	vshrl.u32 v2, $0x10;
	v17 =	vshrl.u32 v17, $0x10;
	[tilespmem:v5+s19+$0x0] =	vst.idx.add.f32.msk $0xffff, v9  }
0x60: {  	v3 =	vshrl.u32 v3, $0x10;
	v4 =	vshrl.u32 v4, $0x10;
	v9 =	vand.u32 $0xFFFF, v1;
	v14 =	vld.idx.msk [tilespmem:v63+s2+$0x0], $0xffff  }
0x61: {  	s28 =	simm.s32 $0x0;
	v5 =	vshrl.u32 v22, $0x10;
	v10 =	vand.u32 $0xFFFF, v11;
	v11 =	vshrl.u32 v11, $0x10;
	v18 =	vld.idx.msk [tilespmem:v20+s2+$0x0], $0xffff  }
.LBB2_6:
0x62: {  	s28 =	sadd.s32 $0x10, s28;
	[tilespmem:v15+s19+$0x0] =	vst.idx.add.f32.msk $0xffff, v13;
	s26 =	sadd.s32 $0x100, s26  }
0x63: {  	p1 =	slt.u32 s28, $0x1F0;
	[tilespmem:v16+s19+$0x0] =	vst.idx.add.f32.msk $0xffff, v8  }
0x64: {  	[tilespmem:v17+s19+$0x0] =	vst.idx.add.f32.msk $0xffff, v12  }
0x65: {  	v8 =	vld.idx.msk [tilespmem:v9+s2+$0x0], $0xffff  }
0x66: {  	v1 =	vshrl.u32 v1, $0x10;
	v9 =	vld.idx.msk [tilespmem:v10+s2+$0x0], $0xffff  }
0x67: {  	[tilespmem:v5+s19+$0x0] =	vst.idx.add.f32.msk $0xffff, v18  }
0x68: {  	[tilespmem:v2+s19+$0x0] =	vst.idx.add.f32.msk $0xffff, v14  }
0x69: {  	[tilespmem:v3+s19+$0x0] =	vst.idx.add.f32.msk $0xffff, v6  }
0x6a: {  	[tilespmem:v4+s19+$0x0] =	vst.idx.add.f32.msk $0xffff, v7  }
0x6b: {  	[tilespmem:v1+s19+$0x0] =	vst.idx.add.f32.msk $0xffff, v8  }
0x6c: {  	[tilespmem:v11+s19+$0x0] =	vst.idx.add.f32.msk $0xffff, v9  }
0x6d: {  	v7 =	vld [tilespmem:s26+$0xFFFFFF90]  }
0x6e: {  	v5 =	vld [tilespmem:s26+$0xFFFFFFC0]  }
0x6f: {  	v4 =	vld [tilespmem:s26+$0xFFFFFFD0]  }
0x70: {  	v3 =	vld [tilespmem:s26+$0xFFFFFFE0]  }
0x71: {  	v6 =	vld [tilespmem:s26+$0xFFFFFFF0]  }
0x72: {  	v2 =	vld [tilespmem:s26+$0xFFFFFF80]  }
0x73: {  	v8 =	vld [tilespmem:s26+$0x70]  }
0x74: {  	v9 =	vld [tilespmem:s26+$0x60]  }
0x75: {  	v10 =	vld [tilespmem:s26+$0x50]  }
0x76: {  	v1 =	vld [tilespmem:s26+$0xFFFFFFA0]  }
0x77: {  	v11 =	vand.u32 $0xFFFF, v2;
	v12 =	vld [tilespmem:s26+$0x40]  }
0x78: {  	v13 =	vld [tilespmem:s26+$0x30];
	v14 =	vand.u32 $0xFFFF, v8  }
0x79: {  	v15 =	vld [tilespmem:s26+$0x20];
	v16 =	vand.u32 $0xFFFF, v9  }
0x7a: {  	v17 =	vld [tilespmem:s26+$0x10];
	v18 =	vand.u32 $0xFFFF, v10  }
0x7b: {  	v19 =	vld [tilespmem:s26+$0x0]  }
0x7c: {  	v11 =	vld.idx.msk [tilespmem:v11+s2+$0x0], $0xffff;
	v20 =	vand.u32 $0xFFFF, v12  }
0x7d: {  	v2 =	vshrl.u32 v2, $0x10;
	v14 =	vld.idx.msk [tilespmem:v14+s2+$0x0], $0xffff  }
0x7e: {  	v8 =	vshrl.u32 v8, $0x10;
	v21 =	vand.u32 $0xFFFF, v15;
	v16 =	vld.idx.msk [tilespmem:v16+s2+$0x0], $0xffff  }
0x7f: {  	v9 =	vshrl.u32 v9, $0x10;
	v23 =	vand.u32 $0xFFFF, v13;
	v22 =	vand.u32 $0xFFFF, v17;
	v18 =	vld.idx.msk [tilespmem:v18+s2+$0x0], $0xffff  }
0x80: {  	v26 =	vshrl.u32 v10, $0x10;
	v24 =	vld [tilespmem:s26+$0xFFFFFFB0];
	v25 =	vand.u32 $0xFFFF, v19  }
0x81: {  	v27 =	vand.u32 $0xFFFF, v6;
	v20 =	vld.idx.msk [tilespmem:v20+s2+$0x0], $0xffff  }
0x82: {  	v28 =	vand.u32 $0xFFFF, v3;
	[tilespmem:v2+s19+$0x0] =	vst.idx.add.f32.msk $0xffff, v11;
	v2 =	vshrl.u32 v3, $0x10  }
0x83: {  	v29 =	vshrl.u32 v12, $0x10;
	v3 =	vshrl.u32 v4, $0x10;
	v11 =	vand.u32 $0xFFFF, v4;
	v21 =	vld.idx.msk [tilespmem:v21+s2+$0x0], $0xffff  }
0x84: {  	v30 =	vand.u32 $0xFFFF, v5;
	v4 =	vshrl.u32 v5, $0x10;
	[tilespmem:v8+s19+$0x0] =	vst.idx.add.f32.msk $0xffff, v14  }
0x85: {  	v14 =	vshrl.u32 v15, $0x10;
	v5 =	vshrl.u32 v24, $0x10;
	v24 =	vand.u32 $0xFFFF, v24;
	[tilespmem:v9+s19+$0x0] =	vst.idx.add.f32.msk $0xffff, v16  }
0x86: {  	v9 =	vand.u32 $0xFFFF, v1;
	v23 =	vld.idx.msk [tilespmem:v23+s2+$0x0], $0xffff  }
0x87: {  	v10 =	vand.u32 $0xFFFF, v7;
	v31 =	vshrl.u32 v13, $0x10;
	[tilespmem:v26+s19+$0x0] =	vst.idx.add.f32.msk $0xffff, v18  }
0x88: {  	v8 =	vld.idx.msk [tilespmem:v25+s2+$0x0], $0xffff  }
0x89: {  	v13 =	vld.idx.msk [tilespmem:v27+s2+$0x0], $0xffff  }
0x8a: {  	v15 =	vshrl.u32 v6, $0x10;
	v12 =	vld.idx.msk [tilespmem:v22+s2+$0x0], $0xffff  }
0x8b: {  	v16 =	vshrl.u32 v19, $0x10;
	[tilespmem:v29+s19+$0x0] =	vst.idx.add.f32.msk $0xffff, v20  }
0x8c: {  	v17 =	vshrl.u32 v17, $0x10;
	v6 =	vld.idx.msk [tilespmem:v11+s2+$0x0], $0xffff  }
.Ltmp2:
0x8d: {  	v11 =	vshrl.u32 v7, $0x10;
	v7 =	vld.idx.msk [tilespmem:v30+s2+$0x0], $0xffff;
	(pc) =	sbr.rel @p1 .LBB2_6-.Ltmp2, $4  }
0x8e: {  	[tilespmem:v14+s19+$0x0] =	vst.idx.add.f32.msk $0xffff, v21  }
0x8f: {  	[tilespmem:v31+s19+$0x0] =	vst.idx.add.f32.msk $0xffff, v23  }
0x90: {  	v14 =	vld.idx.msk [tilespmem:v28+s2+$0x0], $0xffff  }
0x91: {  	v18 =	vld.idx.msk [tilespmem:v24+s2+$0x0], $0xffff  }
0x92: {  	_ =	sdelay $0x3  }
0x93: {  	[tilespmem:v15+s19+$0x0] =	vst.idx.add.f32.msk $0xffff, v13  }
0x94: {  	[tilespmem:v16+s19+$0x0] =	vst.idx.add.f32.msk $0xffff, v8  }
0x95: {  	[tilespmem:v17+s19+$0x0] =	vst.idx.add.f32.msk $0xffff, v12  }
0x96: {  	v8 =	vld.idx.msk [tilespmem:v9+s2+$0x0], $0xffff  }
0x97: {  	v9 =	vld.idx.msk [tilespmem:v10+s2+$0x0], $0xffff;
	v1 =	vshrl.u32 v1, $0x10  }
0x98: {  	[tilespmem:v3+s19+$0x0] =	vst.idx.add.f32.msk $0xffff, v6  }
0x99: {  	p1 =	seq.s32 s24, $0x40;
	[tilespmem:v4+s19+$0x0] =	vst.idx.add.f32.msk $0xffff, v7  }
0x9a: {  	s25 =	sadd.s32 @!p1 $0x6000, s25;
	[tilespmem:v2+s19+$0x0] =	vst.idx.add.f32.msk $0xffff, v14  }
0x9b: {  	p2 =	slt.s32 @!p1 s25, s6;
	[tilespmem:v5+s19+$0x0] =	vst.idx.add.f32.msk $0xffff, v18  }
0x9c: {  	p2 =	por !p2, p1;
	[tilespmem:v1+s19+$0x0] =	vst.idx.add.f32.msk $0xffff, v8  }
0x9d: {  	s25 =	smov.u32 @p2 s6;
	[tilespmem:v11+s19+$0x0] =	vst.idx.add.f32.msk $0xffff, v9  }
0x9e: {  	s25 =	sadd.s32 @!p1 s3, s25;
	_ =	swait.ge [sflag:s20], $0x2000  }
0x9f: {  	s26 =	simm.s32 @!p1 $0x0;
	s25 =	sshrl.u32 @!p1 s25, $0x3;
	[sflag:s20] =	ssyncset.done $0x0  }
0xa0: {  	s28 =	simm.s32 @!p1 $0x1B000;
	s25 =	sadd.s32 @!p1 s4, s25;
	[sflag:s20] =	ssyncadd.s32 $0xFFFFE000  }
0xa1: {  	[tilespmem:s28], [sflag:$0x2] =	stream.linear.gather @!p1 [hbm4b:s25+s26], $0x2000, $0x38;
	[tilespmem:$0x1D000] =	vst v63  }
0xa2: {  	s25 =	simm.s32 $0x1B080  }
0xa3: {  	v11 =	vld [tilespmem:s25+$0xFFFFFF90]  }
0xa4: {  	v4 =	vld [tilespmem:s25+$0xFFFFFFC0]  }
0xa5: {  	v3 =	vld [tilespmem:s25+$0xFFFFFFD0]  }
0xa6: {  	v2 =	vld [tilespmem:s25+$0xFFFFFFE0]  }
0xa7: {  	v14 =	vld [tilespmem:s25+$0xFFFFFFF0]  }
0xa8: {  	v5 =	vld [tilespmem:s25+$0xFFFFFF80]  }
0xa9: {  	v6 =	vld [tilespmem:s25+$0x70]  }
0xaa: {  	v7 =	vld [tilespmem:s25+$0x60]  }
0xab: {  	v8 =	vld [tilespmem:s25+$0x50]  }
0xac: {  	v1 =	vld [tilespmem:s25+$0xFFFFFFA0]  }
0xad: {  	v10 =	vld [tilespmem:s25+$0x40]  }
0xae: {  	v12 =	vld [tilespmem:s25+$0x30];
	v9 =	vand.u32 $0xFFFF, v5  }
0xaf: {  	v15 =	vld [tilespmem:s25+$0x20];
	v13 =	vand.u32 $0xFFFF, v6  }
0xb0: {  	v17 =	vld [tilespmem:s25+$0x10];
	v16 =	vand.u32 $0xFFFF, v7  }
0xb1: {  	v19 =	vld [tilespmem:s25+$0x0];
	v18 =	vand.u32 $0xFFFF, v8  }
0xb2: {  	v22 =	vld [tilespmem:s25+$0xFFFFFFB0];
	v20 =	vand.u32 $0xFFFF, v10  }
0xb3: {  	v5 =	vshrl.u32 v5, $0x10;
	v9 =	vld.idx.msk [tilespmem:v9+s2+$0x0], $0xffff  }
0xb4: {  	v21 =	vand.u32 $0xFFFF, v15;
	v13 =	vld.idx.msk [tilespmem:v13+s2+$0x0], $0xffff  }
0xb5: {  	v6 =	vshrl.u32 v6, $0x10;
	v16 =	vld.idx.msk [tilespmem:v16+s2+$0x0], $0xffff  }
0xb6: {  	v7 =	vshrl.u32 v7, $0x10;
	v18 =	vld.idx.msk [tilespmem:v18+s2+$0x0], $0xffff  }
0xb7: {  	v23 =	vand.u32 $0xFFFF, v12;
	v20 =	vld.idx.msk [tilespmem:v20+s2+$0x0], $0xffff  }
0xb8: {  	v8 =	vshrl.u32 v8, $0x10;
	[tilespmem:v5+s19+$0x0] =	vst.idx.add.f32.msk $0xffff, v9  }
0xb9: {  	v5 =	vand.u32 $0xFFFF, v19;
	v9 =	vld.idx.msk [tilespmem:v21+s2+$0x0], $0xffff  }
0xba: {  	v62 =	vand.u32 $0xFFFF, v14;
	[tilespmem:v6+s19+$0x0] =	vst.idx.add.f32.msk $0xffff, v13  }
0xbb: {  	v10 =	vshrl.u32 v10, $0x10;
	[tilespmem:v7+s19+$0x0] =	vst.idx.add.f32.msk $0xffff, v16  }
0xbc: {  	v6 =	vand.u32 $0xFFFF, v17;
	v16 =	vld.idx.msk [tilespmem:v23+s2+$0x0], $0xffff  }
0xbd: {  	v63 =	vand.u32 $0xFFFF, v3;
	[tilespmem:v8+s19+$0x0] =	vst.idx.add.f32.msk $0xffff, v18  }
0xbe: {  	v7 =	vld.idx.msk [tilespmem:v5+s2+$0x0], $0xffff;
	v5 =	vshrl.u32 v15, $0x10;
	v15 =	vshrl.u32 v12, $0x10  }
0xbf: {  	v8 =	vand.u32 $0xFFFF, v4;
	v13 =	vld.idx.msk [tilespmem:v62+s2+$0x0], $0xffff  }
0xc0: {  	[tilespmem:v10+s19+$0x0] =	vst.idx.add.f32.msk $0xffff, v20  }
0xc1: {  	v18 =	vand.u32 $0xFFFF, v2;
	v12 =	vld.idx.msk [tilespmem:v6+s2+$0x0], $0xffff  }
0xc2: {  	v20 =	vand.u32 $0xFFFF, v22;
	v6 =	vld.idx.msk [tilespmem:v63+s2+$0x0], $0xffff  }
0xc3: {  	[tilespmem:v15+s19+$0x0] =	vst.idx.add.f32.msk $0xffff, v16;
	v15 =	vshrl.u32 v14, $0x10  }
0xc4: {  	v8 =	vld.idx.msk [tilespmem:v8+s2+$0x0], $0xffff;
	v16 =	vshrl.u32 v19, $0x10  }
0xc5: {  	v3 =	vshrl.u32 v3, $0x10;
	v17 =	vshrl.u32 v17, $0x10;
	[tilespmem:v5+s19+$0x0] =	vst.idx.add.f32.msk $0xffff, v9  }
0xc6: {  	v2 =	vshrl.u32 v2, $0x10;
	v4 =	vshrl.u32 v4, $0x10;
	v9 =	vand.u32 $0xFFFF, v1;
	v14 =	vld.idx.msk [tilespmem:v18+s2+$0x0], $0xffff  }
0xc7: {  	s26 =	simm.s32 $0x0;
	v10 =	vand.u32 $0xFFFF, v11;
	v11 =	vshrl.u32 v11, $0x10;
	v5 =	vshrl.u32 v22, $0x10;
	v18 =	vld.idx.msk [tilespmem:v20+s2+$0x0], $0xffff  }
.LBB2_8:
0xc8: {  	s26 =	sadd.s32 $0x10, s26;
	[tilespmem:v15+s19+$0x0] =	vst.idx.add.f32.msk $0xffff, v13;
	s25 =	sadd.s32 $0x100, s25  }
0xc9: {  	p1 =	slt.u32 s26, $0x1F0;
	[tilespmem:v16+s19+$0x0] =	vst.idx.add.f32.msk $0xffff, v7  }
0xca: {  	[tilespmem:v17+s19+$0x0] =	vst.idx.add.f32.msk $0xffff, v12  }
0xcb: {  	v7 =	vld.idx.msk [tilespmem:v9+s2+$0x0], $0xffff  }
0xcc: {  	v1 =	vshrl.u32 v1, $0x10;
	v9 =	vld.idx.msk [tilespmem:v10+s2+$0x0], $0xffff  }
0xcd: {  	[tilespmem:v5+s19+$0x0] =	vst.idx.add.f32.msk $0xffff, v18  }
0xce: {  	[tilespmem:v2+s19+$0x0] =	vst.idx.add.f32.msk $0xffff, v14  }
0xcf: {  	[tilespmem:v3+s19+$0x0] =	vst.idx.add.f32.msk $0xffff, v6  }
0xd0: {  	[tilespmem:v4+s19+$0x0] =	vst.idx.add.f32.msk $0xffff, v8  }
0xd1: {  	[tilespmem:v1+s19+$0x0] =	vst.idx.add.f32.msk $0xffff, v7  }
0xd2: {  	[tilespmem:v11+s19+$0x0] =	vst.idx.add.f32.msk $0xffff, v9  }
0xd3: {  	v8 =	vld [tilespmem:s25+$0xFFFFFF90]  }
0xd4: {  	v5 =	vld [tilespmem:s25+$0xFFFFFFC0]  }
0xd5: {  	v4 =	vld [tilespmem:s25+$0xFFFFFFD0]  }
0xd6: {  	v3 =	vld [tilespmem:s25+$0xFFFFFFE0]  }
0xd7: {  	v6 =	vld [tilespmem:s25+$0xFFFFFFF0]  }
0xd8: {  	v2 =	vld [tilespmem:s25+$0xFFFFFF80]  }
0xd9: {  	v7 =	vld [tilespmem:s25+$0x70]  }
0xda: {  	v9 =	vld [tilespmem:s25+$0x60]  }
0xdb: {  	v10 =	vld [tilespmem:s25+$0x50]  }
0xdc: {  	v1 =	vld [tilespmem:s25+$0xFFFFFFA0]  }
0xdd: {  	v11 =	vand.u32 $0xFFFF, v2;
	v12 =	vld [tilespmem:s25+$0x40]  }
0xde: {  	v13 =	vld [tilespmem:s25+$0x30];
	v14 =	vand.u32 $0xFFFF, v7  }
0xdf: {  	v15 =	vld [tilespmem:s25+$0x20];
	v16 =	vand.u32 $0xFFFF, v9  }
0xe0: {  	v17 =	vld [tilespmem:s25+$0x10];
	v18 =	vand.u32 $0xFFFF, v10  }
0xe1: {  	v19 =	vld [tilespmem:s25+$0x0]  }
0xe2: {  	v11 =	vld.idx.msk [tilespmem:v11+s2+$0x0], $0xffff;
	v20 =	vand.u32 $0xFFFF, v12  }
0xe3: {  	v2 =	vshrl.u32 v2, $0x10;
	v14 =	vld.idx.msk [tilespmem:v14+s2+$0x0], $0xffff  }
0xe4: {  	v7 =	vshrl.u32 v7, $0x10;
	v21 =	vand.u32 $0xFFFF, v15;
	v16 =	vld.idx.msk [tilespmem:v16+s2+$0x0], $0xffff  }
0xe5: {  	v9 =	vshrl.u32 v9, $0x10;
	v23 =	vand.u32 $0xFFFF, v13;
	v22 =	vand.u32 $0xFFFF, v17;
	v18 =	vld.idx.msk [tilespmem:v18+s2+$0x0], $0xffff  }
0xe6: {  	v26 =	vshrl.u32 v10, $0x10;
	v24 =	vld [tilespmem:s25+$0xFFFFFFB0];
	v25 =	vand.u32 $0xFFFF, v19  }
0xe7: {  	v27 =	vand.u32 $0xFFFF, v6;
	v20 =	vld.idx.msk [tilespmem:v20+s2+$0x0], $0xffff  }
0xe8: {  	v28 =	vand.u32 $0xFFFF, v3;
	[tilespmem:v2+s19+$0x0] =	vst.idx.add.f32.msk $0xffff, v11;
	v2 =	vshrl.u32 v3, $0x10  }
0xe9: {  	v29 =	vshrl.u32 v12, $0x10;
	v3 =	vshrl.u32 v4, $0x10;
	v11 =	vand.u32 $0xFFFF, v4;
	v21 =	vld.idx.msk [tilespmem:v21+s2+$0x0], $0xffff  }
0xea: {  	v30 =	vand.u32 $0xFFFF, v5;
	v4 =	vshrl.u32 v5, $0x10;
	[tilespmem:v7+s19+$0x0] =	vst.idx.add.f32.msk $0xffff, v14  }
0xeb: {  	v14 =	vshrl.u32 v15, $0x10;
	v5 =	vshrl.u32 v24, $0x10;
	v24 =	vand.u32 $0xFFFF, v24;
	[tilespmem:v9+s19+$0x0] =	vst.idx.add.f32.msk $0xffff, v16  }
0xec: {  	v9 =	vand.u32 $0xFFFF, v1;
	v23 =	vld.idx.msk [tilespmem:v23+s2+$0x0], $0xffff  }
0xed: {  	v10 =	vand.u32 $0xFFFF, v8;
	v31 =	vshrl.u32 v13, $0x10;
	[tilespmem:v26+s19+$0x0] =	vst.idx.add.f32.msk $0xffff, v18  }
0xee: {  	v7 =	vld.idx.msk [tilespmem:v25+s2+$0x0], $0xffff  }
0xef: {  	v13 =	vld.idx.msk [tilespmem:v27+s2+$0x0], $0xffff  }
0xf0: {  	v15 =	vshrl.u32 v6, $0x10;
	v12 =	vld.idx.msk [tilespmem:v22+s2+$0x0], $0xffff  }
0xf1: {  	v16 =	vshrl.u32 v19, $0x10;
	[tilespmem:v29+s19+$0x0] =	vst.idx.add.f32.msk $0xffff, v20  }
0xf2: {  	v17 =	vshrl.u32 v17, $0x10;
	v6 =	vld.idx.msk [tilespmem:v11+s2+$0x0], $0xffff  }
.Ltmp3:
0xf3: {  	v11 =	vshrl.u32 v8, $0x10;
	v8 =	vld.idx.msk [tilespmem:v30+s2+$0x0], $0xffff;
	(pc) =	sbr.rel @p1 .LBB2_8-.Ltmp3, $4  }
0xf4: {  	[tilespmem:v14+s19+$0x0] =	vst.idx.add.f32.msk $0xffff, v21  }
0xf5: {  	[tilespmem:v31+s19+$0x0] =	vst.idx.add.f32.msk $0xffff, v23  }
0xf6: {  	v14 =	vld.idx.msk [tilespmem:v28+s2+$0x0], $0xffff  }
0xf7: {  	v18 =	vld.idx.msk [tilespmem:v24+s2+$0x0], $0xffff  }
0xf8: {  	_ =	sdelay $0x3  }
0xf9: {  	[tilespmem:v15+s19+$0x0] =	vst.idx.add.f32.msk $0xffff, v13  }
0xfa: {  	[tilespmem:v16+s19+$0x0] =	vst.idx.add.f32.msk $0xffff, v7  }
0xfb: {  	[tilespmem:v17+s19+$0x0] =	vst.idx.add.f32.msk $0xffff, v12  }
0xfc: {  	v62 =	vld.idx.msk [tilespmem:v9+s2+$0x0], $0xffff  }
0xfd: {  	v63 =	vld.idx.msk [tilespmem:v10+s2+$0x0], $0xffff;
	v1 =	vshrl.u32 v1, $0x10;
	s24 =	sadd.s32 $0x1, s24  }
0xfe: {  	[tilespmem:v3+s19+$0x0] =	vst.idx.add.f32.msk $0xffff, v6;
	p1 =	sne.s32 s24, $0x41  }
.Ltmp4:
0xff: {  	[tilespmem:v4+s19+$0x0] =	vst.idx.add.f32.msk $0xffff, v8;
	(pc) =	sbr.rel @p1 .LBB2_5-.Ltmp4, $4  }
0x100: {  	[tilespmem:v2+s19+$0x0] =	vst.idx.add.f32.msk $0xffff, v14  }
0x101: {  	[tilespmem:v5+s19+$0x0] =	vst.idx.add.f32.msk $0xffff, v18  }
0x102: {  	[tilespmem:v1+s19+$0x0] =	vst.idx.add.f32.msk $0xffff, v62  }
0x103: {  	[tilespmem:v11+s19+$0x0] =	vst.idx.add.f32.msk $0xffff, v63  }
0x104: {  	s24 =	sadd.s32 $0x2, s8  }
0x105: {  	p3 =	slt.u32 s24, s9  }
.Ltmp5:
0x106: {  	_ =	swait.ge [sflag:s16], $0x2000;
	(pc) =	sbr.rel @!p3 .LBB2_11-.Ltmp5, $4  }
0x107: {  	[sflag:s16] =	ssyncset.done $0x0  }
0x108: {  	[sflag:s16] =	ssyncadd.s32 $0xFFFFE000  }
0x109: {  	v8 =	vld [tilespmem:s13+$0xFFFFFFF0]  }
0x10a: {  	s25 =	sadd.s32 $0x20, s13;
	p1 =	por $0x0, $0x0;
	p2 =	por $0x0, $0x0;
	v10 =	vld [tilespmem:s13+$0x0]  }
0x10b: {  	_ =	sdelay $0x2  }
0x10c: {  	s24 =	sadd.s32 $0x2, s24;
	v1 =	vand.u32 $0xFFFF, v8  }
0x10d: {  	p3 =	slt.u32 s24, s9  }
.Ltmp6:
0x10e: {  	_ = 	snop;
	(pc) =	sbr.rel @!p3 .LBB2_13-.Ltmp6, $4  }
0x10f: {  	_ = 	snop  }
0x110: {  	v9 =	vld [tilespmem:s25+$0xFFFFFFF0]  }
0x111: {  	v7 =	vld.idx.msk [tilespmem:v1+s2+$0x0], $0xffff  }
0x112: {  	v6 =	vld [tilespmem:s25+$0x0];
	s25 =	sadd.s32 $0x20, s25;
	p1 =	por $0x1, $0x1;
	v11 =	vand.u32 $0xFFFF, v10  }
0x113: {  	_ = 	snop  }
0x114: {  	s24 =	sadd.s32 $0x2, s24  }
0x115: {  	p3 =	slt.u32 s24, s9;
	v12 =	vand.u32 $0xFFFF, v9  }
.Ltmp7:
0x116: {  	v2 =	vld [tilespmem:s25+$0xFFFFFFF0];
	(pc) =	sbr.rel @!p3 .LBB2_15-.Ltmp7, $3  }
0x117: {  	v1 =	vld [tilespmem:s25+$0x0];
	_ =	sdelay $0x1  }
0x118: {  	v3 =	vld.idx.msk [tilespmem:v11+s2+$0x0], $0xffff;
	v5 =	vshrl.u32 v8, $0x10  }
0x119: {  	v4 =	vshrl.u32 v10, $0x10;
	s25 =	sadd.s32 $0x20, s25;
	p2 =	por $0x1, $0x1;
	v11 =	vand.u32 $0xFFFF, v6;
	v12 =	vld.idx.msk [tilespmem:v12+s2+$0x0], $0xffff  }
.LBB2_16:
0x11a: {  	s24 =	sadd.s32 $0x2, s24  }
0x11b: {  	v8 =	vld [tilespmem:s25+$0xFFFFFFF0];
	v10 =	vand.u32 $0xFFFF, v2;
	v13 =	vmov v1;
	p3 =	slt.u32 s24, s9  }
.Ltmp8:
0x11c: {  	v1 =	vld [tilespmem:s25+$0x0];
	v14 =	vand.u32 $0xFFFF, v13;
	(pc) =	sbr.rel @p3 .LBB2_16-.Ltmp8, $4  }
0x11d: {  	[tilespmem:v5+s19+$0x0] =	vst.idx.add.f32.msk $0xffff, v7;
	v5 =	vshrl.u32 v9, $0x10;
	v9 =	vmov v2  }
0x11e: {  	v15 =	vmov v3;
	v3 =	vld.idx.msk [tilespmem:v11+s2+$0x0], $0xffff;
	v11 =	vmov v14  }
0x11f: {  	[tilespmem:v4+s19+$0x0] =	vst.idx.add.f32.msk $0xffff, v15;
	v4 =	vshrl.u32 v6, $0x10;
	v6 =	vmov v13  }
0x120: {  	s25 =	sadd.s32 $0x20, s25;
	v7 =	vmov v12;
	v2 =	vmov v8;
	v12 =	vld.idx.msk [tilespmem:v10+s2+$0x0], $0xffff  }
0x121: {  	_ =	sdelay $0x3  }
0x122: {  	v13 =	vmovc v7;
	v8 =	vmov v9;
	v10 =	vmov v6;
	v7 =	vmov v12  }
.LBB2_18:
0x123: {  	_ =	sdelay $0x1  }
0x124: {  	v6 =	vand.u32 $0xFFFF, v2  }
0x125: {  	v9 =	vand.u32 $0xFFFF, v1  }
0x126: {  	v8 =	vshrl.u32 @p1 v8, $0x10;
	v11 =	vld.idx.msk @p1 [tilespmem:v11+s2+$0x0], $0xffff  }
0x127: {  	v10 =	vshrl.u32 @p1 v10, $0x10;
	[tilespmem:v5+s19+$0x0] =	vst.idx.add.f32.msk @p2 $0xffff, v13;
	v8 =	vpsel p1, v8, v0  }
0x128: {  	[tilespmem:v4+s19+$0x0] =	vst.idx.add.f32.msk @p2 $0xffff, v3;
	v5 =	vpsel p1, v10, v0  }
0x129: {  	v2 =	vshrl.u32 v2, $0x10;
	v3 =	vpsel p1, v7, v0;
	v6 =	vld.idx.msk [tilespmem:v6+s2+$0x0], $0xffff  }
0x12a: {  	v1 =	vshrl.u32 v1, $0x10;
	v9 =	vld.idx.msk [tilespmem:v9+s2+$0x0], $0xffff  }
0x12b: {  	v4 =	vpsel p1, v11, v0  }
0x12c: {  	[tilespmem:v8+s19+$0x0] =	vst.idx.add.f32.msk @p1 $0xffff, v3;
	v3 =	vmov @p1 v4  }
0x12d: {  	[tilespmem:v5+s19+$0x0] =	vst.idx.add.f32.msk @p1 $0xffff, v3  }
0x12e: {  	[tilespmem:v2+s19+$0x0] =	vst.idx.add.f32.msk $0xffff, v6  }
0x12f: {  	[tilespmem:v1+s19+$0x0] =	vst.idx.add.f32.msk $0xffff, v9  }
0x130: {  	v1 =	vld @p0 [tilespmem:$0x1AFF0];
	_ =	sdelay $0x4  }
0x131: {  	v2 =	vand.u32 @p0 $0xFFFF, v1;
	_ =	sdelay $0x3  }
0x132: {  	s24 =	simm.s32 @p0 $0x0  }
0x133: {  	v1 =	vshrl.u32 @p0 v1, $0x10;
	v2 =	vld.idx.msk @p0 [tilespmem:v2+s24+$0x0], $0xffff;
	_ =	sdelay $0x3  }
0x134: {  	s23 =	sadd.s32 $0x1, s23;
	s24 =	simm.s32 @p0 $0xC800  }
0x135: {  	p1 =	sne.s32 s23, s12;
	[tilespmem:v1+s24+$0x0] =	vst.idx.add.f32.msk @p0 $0xffff, v2  }
0x136: {  	[hbm4b:s10+s14] =	stream.strided.scatter [tilespmem:s19], [sflag:$0x3], $0xC800, s21, s14, $0x38;
	[tilespmem:$0x1D000] =	vst v63  }
.Ltmp9:
0x137: {  	_ = 	snop;
	(pc) =	sbr.rel @p1 .LBB2_2-.Ltmp9, $4  }
.Ltmp10:
0x138: {  	_ = 	snop;
	(pc) =	sbr.rel @!p1 .LBB2_19-.Ltmp10, $4  }
0x139: {  	_ =	swait.ge [sflag:s22], $0xC800  }
0x13a: {  	[sflag:s22] =	ssyncset.done $0x0  }
0x13b: {  	[sflag:s22] =	ssyncadd.s32 $0xFFFF3800  }
0x13c: {  	_ = 	snop  }
.LBB2_11:
.Ltmp11:
0x13d: {  	_ = 	snop;
	(pc) =	sbr.rel .LBB2_18-.Ltmp11, $2  }
0x13e: {  	_ =	sdelay $0x2  }
0x13f: {  	v2 =	vmov v8;
	v1 =	vmov v10  }
.LBB2_13:
.Ltmp12:
0x140: {  	_ = 	snop;
	(pc) =	sbr.rel .LBB2_18-.Ltmp12, $2  }
0x141: {  	_ =	sdelay $0x2  }
0x142: {  	v2 =	vmov v9;
	v1 =	vmov v6  }
.LBB2_15:
.Ltmp13:
0x143: {  	_ = 	snop;
	(pc) =	sbr.rel .LBB2_18-.Ltmp13, $2  }
0x144: {  	_ =	sdelay $0x2  }
0x145: {  	v13 =	vmovc v7;
	v8 =	vmov v9;
	v10 =	vmov v6;
	v7 =	vmov v12  }
.Lfunc_end2:
_tile_overlayer_lowered:
.L_overlay_start_2:
0x146: {  	(tag) =	ssettag $0x2  }
0x147: {  	s0 =	rddreg [dreg:$0x0];
	s2 =	stileid.u32  }
0x148: {  	s1 =	rddreg [dreg:$0x1];
	p0 =	sne.s32 s2, $0x0  }
0x149: {  	s3 =	rddreg [dreg:$0x2];
	[bflag:$0x3] =	sbarrier.arrive $0xFFFF;
	s2 =	simm.s32 @!p0 $0x1C03  }
0x14a: {  	[timem:s3], [sflag:s2] =	dma.local @!p0 [hbm:s0], s1  }
0x14b: {  	s0 =	simm.s32 @!p0 $0x3  }
0x14c: {  	_ =	swait.ge @!p0 [sflag:s0], s1  }
0x14d: {  	s1 =	ssub.s32 @!p0 $0x0, s1;
	[sflag:s0] =	ssyncset.done @!p0 $0x0  }
0x14e: {  	[sflag:s0] =	ssyncadd.s32 @!p0 s1  }
0x14f: {  	[bflag:$0x3] =	sbarrier.arrive $0xFFFF  }
0x150: {  	_ =	shalt  }

// kernel: kernel.7.cloned.1.call-start
scs
__scs_entry_jumppad:
0x0: {  	(pc) =	sbr.rel $0x88, $3  }
0x1: {  	(tag) =	ssettag $0x0;
	lr =	simm.s32 $0x1  }
0x2: {  	[smem:$0x3F9D] =	sst lr;
	_ =	strace $0xD0000000  }
0x3: {  	_ = 	snop  }
0x4: {  	_ = 	snop  }
0x5: {  	_ = 	snop  }
0x6: {  	_ = 	snop  }
0x7: {  	_ = 	snop  }
__scs_overlays_trampoline_lowered:
0x8: {  	[smem:$0x3FAC] =	sst s0  }
0x9: {  	[smem:$0x3FAD] =	sst s1  }
0xa: {  	[smem:$0x3FAE] =	sst s2  }
0xb: {  	[smem:$0x3FAF] =	sst s3  }
0xc: {  	[smem:$0x3FB0] =	sst s4  }
0xd: {  	[smem:$0x3FB1] =	sst s5  }
0xe: {  	[smem:$0x3FB2] =	sst s6  }
0xf: {  	[smem:$0x3FB3] =	sst s7  }
0x10: {  	[smem:$0x3FB4] =	sst s8  }
0x11: {  	[smem:$0x3FB5] =	sst s9;
	s0 =	simm.s32 @!p0 $0x0  }
0x12: {  	s1 =	sld [smem:$0x3F9B];
	s0 =	simm.s32 @p0 $0x1  }
0x13: {  	[smem:$0x3FB6] =	sst s0;
	s0 =	simm.s32 @!p1 $0x0  }
0x14: {  	s2 =	sld [smem:$0x3F9A];
	s0 =	simm.s32 @p1 $0x1  }
0x15: {  	[smem:$0x3FB7] =	sst s0;
	s0 =	simm.s32 @!p2 $0x0  }
0x16: {  	s3 =	sld [smem:$0x3FDB];
	s0 =	simm.s32 @p2 $0x1  }
0x17: {  	s4 =	simm.s32 $0x1BF5;
	[smem:$0x3FB9] =	sst s0  }
0x18: {  	s0 =	sld [smem:$0x3F9C];
	_ =	swait.ge [sflag:s4], $0x0  }
0x19: {  	s7 =	sld [smem:$0x3F9D]  }
0x1a: {  	s8 =	sadd.s32 $0xFFFFE003, lr  }
0x1b: {  	s9 =	sadd.s32 $0xFFFFFEF7, lr;
	s5 =	simm.s32 $0xFFFFFFFF;
	p2 =	slt.u32 s8, $0xFFFFF086  }
0x1c: {  	p1 =	slt.u32 s9, $0xF7A;
	s5 =	simm.s32 @!p2 $0x0  }
0x1d: {  	s5 =	simm.s32 @p1 $0x1;
	p0 =	seq.s32 s7, s2  }
0x1e: {  	s7 =	smul.u32 @!p0 $0xF7A, s2;
	p2 =	seq.s32 @!p0 s5, $0x0  }
0x1f: {  	s9 =	smul.u32 $0xF7A, s1;
	s8 =	simm.s32 @!p0 $0x1BF5;
	p2 =	por !p2, p0  }
0x20: {  	[sflag:s8] =	ssyncset.s32 @!p0 $0xFFFFF086;
	s6 =	sadd.s32 @!p0 s3, s7;
	s7 =	simm.s32 @!p0 $0x108  }
0x21: {  	s3 =	sadd.s32 s3, s9;
	s6 =	sadd.s32 @!p0 $0x88, s6;
	s7 =	simm.s32 @p2 $0x1082  }
0x22: {  	[simem:s7], [sflag:s8] =	dma.local @!p0 [hbm:s6], $0xF7A  }
0x23: {  	s9 =	sor.u32 $0xD0000000, s2;
	s6 =	simm.s32 $0x108;
	_ =	swait.ge @!p0 [sflag:s8], $0x0  }
0x24: {  	s3 =	sadd.s32 $0x88, s3;
	s6 =	simm.s32 @!p1 $0x1082;
	[sflag:s4] =	ssyncset.s32 $0xFFFFF086  }
0x25: {  	[simem:s6], [sflag:s4] =	dma.local [hbm:s3], $0xF7A  }
0x26: {  	[smem:$0x3F9D] =	sst s1;
	(tag) =	ssettag s2;
	_ =	strace s9  }
0x27: {  	s1 =	sld [smem:$0x3FAD]  }
0x28: {  	s2 =	sld [smem:$0x3FAE]  }
0x29: {  	s4 =	sld [smem:$0x3FB0]  }
0x2a: {  	p0 =	seq.s32 s5, $0x0;
	s5 =	sld [smem:$0x3FB1]  }
0x2b: {  	s6 =	sld [smem:$0x3FB2]  }
0x2c: {  	s7 =	sld [smem:$0x3FB3]  }
0x2d: {  	s3 =	simm.s32 $0x108;
	s8 =	sld [smem:$0x3FB4]  }
0x2e: {  	s3 =	simm.s32 @!p0 $0x1082;
	s9 =	sld [smem:$0x3FB5]  }
0x2f: {  	lr =	sadd.s32 s0, s3;
	s0 =	sld [smem:$0x3FAC]  }
0x30: {  	s3 =	sld [smem:$0x3FAF]  }
0x31: {  	[smem:$0x3FB8] =	sst s10  }
0x32: {  	s10 =	sld [smem:$0x3FB6];
	_ =	sdelay $0x3  }
0x33: {  	p0 =	seq.s32 s10, $0x1;
	s10 =	sld [smem:$0x3FB8];
	_ =	sdelay $0x3  }
0x34: {  	[smem:$0x3FB8] =	sst s10  }
0x35: {  	s10 =	sld [smem:$0x3FB7];
	_ =	sdelay $0x3  }
0x36: {  	p1 =	seq.s32 s10, $0x1;
	s10 =	sld [smem:$0x3FB8];
	_ =	sdelay $0x3  }
0x37: {  	[smem:$0x3FB8] =	sst s10  }
0x38: {  	s10 =	sld [smem:$0x3FB9]  }
0x39: {  	_ = 	snop;
	(pc) =	sbr.ind lr, $3  }
0x3a: {  	_ = 	snop  }
0x3b: {  	_ = 	snop  }
0x3c: {  	p2 =	seq.s32 s10, $0x1;
	s10 =	sld [smem:$0x3FB8]  }
0x3d: {  	_ =	shalt  }
0x3e: {  	_ =	shalt  }
0x3f: {  	_ =	shalt  }
0x40: {  	_ =	shalt  }
0x41: {  	_ =	shalt  }
0x42: {  	_ =	shalt  }
0x43: {  	_ =	shalt  }
0x44: {  	_ =	shalt  }
0x45: {  	_ =	shalt  }
0x46: {  	_ =	shalt  }
0x47: {  	_ =	shalt  }
0x48: {  	_ =	shalt  }
0x49: {  	_ =	shalt  }
0x4a: {  	_ =	shalt  }
0x4b: {  	_ =	shalt  }
0x4c: {  	_ =	shalt  }
0x4d: {  	_ =	shalt  }
0x4e: {  	_ =	shalt  }
0x4f: {  	_ =	shalt  }
0x50: {  	_ =	shalt  }
0x51: {  	_ =	shalt  }
0x52: {  	_ =	shalt  }
0x53: {  	_ =	shalt  }
0x54: {  	_ =	shalt  }
0x55: {  	_ =	shalt  }
0x56: {  	_ =	shalt  }
0x57: {  	_ =	shalt  }
0x58: {  	_ =	shalt  }
0x59: {  	_ =	shalt  }
0x5a: {  	_ =	shalt  }
0x5b: {  	_ =	shalt  }
0x5c: {  	_ =	shalt  }
0x5d: {  	_ =	shalt  }
0x5e: {  	_ =	shalt  }
0x5f: {  	_ =	shalt  }
0x60: {  	_ =	shalt  }
0x61: {  	_ =	shalt  }
0x62: {  	_ =	shalt  }
0x63: {  	_ =	shalt  }
0x64: {  	_ =	shalt  }
0x65: {  	_ =	shalt  }
0x66: {  	_ =	shalt  }
0x67: {  	_ =	shalt  }
0x68: {  	_ =	shalt  }
0x69: {  	_ =	shalt  }
0x6a: {  	_ =	shalt  }
0x6b: {  	_ =	shalt  }
0x6c: {  	_ =	shalt  }
0x6d: {  	_ =	shalt  }
0x6e: {  	_ =	shalt  }
0x6f: {  	_ =	shalt  }
0x70: {  	_ =	shalt  }
0x71: {  	_ =	shalt  }
0x72: {  	_ =	shalt  }
0x73: {  	_ =	shalt  }
0x74: {  	_ =	shalt  }
0x75: {  	_ =	shalt  }
0x76: {  	_ =	shalt  }
0x77: {  	_ =	shalt  }
0x78: {  	_ =	shalt  }
0x79: {  	_ =	shalt  }
0x7a: {  	_ =	shalt  }
0x7b: {  	_ =	shalt  }
0x7c: {  	_ =	shalt  }
0x7d: {  	_ =	shalt  }
0x7e: {  	_ =	shalt  }
0x7f: {  	_ =	shalt  }
0x80: {  	_ =	shalt  }
0x81: {  	_ =	shalt  }
0x82: {  	_ =	shalt  }
0x83: {  	_ =	shalt  }
0x84: {  	_ =	shalt  }
0x85: {  	_ =	shalt  }
0x86: {  	_ =	shalt  }
0x87: {  	_ =	shalt  }
.Lfunc_end0:
.L_simem_size_0:
called_computation_lowered:
.L_overlay_start_0:
0x88: {  	s2 =	sld [smem:$0x3FD9]  }
0x89: {  	s3 =	sld [smem:$0x3FFE];
	_ =	sdelay $0x1  }
0x8a: {  	s1 =	srdreg.scid  }
0x8b: {  	s0 =	sand.u32 $0x1, s1  }
0x8c: {  	s16 =	sshll.u32 s0, $0xA;
	s2 =	sadd.s32 s3, s2  }
0x8d: {  	s2 =	sadd.s32 s2, s16  }
0x8e: {  	[smem:$0x3FC4] =	sst s2  }
0x8f: {  	_ = 	snop  }
0x90: {  	(tm) =	ssettm $0x1  }
0x91: {  	s17 =	sld [smem:$0x3FFB];
	_ =	sdelay $0x3  }
0x92: {  	_ =	strace s17  }
0x93: {  	s2 =	sld [smem:$0x3FFC];
	_ =	sdelay $0x3  }
0x94: {  	_ =	strace s2  }
0x95: {  	s2 =	sld [smem:$0x3FFD];
	_ =	sdelay $0x3  }
0x96: {  	_ =	strace s2  }
0x97: {  	_ =	strace $0x8FFFFFFF  }
0x98: {  	s18 =	sld [smem:$0x3FDB];
	_ =	sdelay $0x1  }
0x99: {  	s19 =	simm.s32 $_scs_section_size  }
0x9a: {  	s4 =	simm.s32 $_size__tile_overlayer_lowered;
	s5 =	simm.s32 $_tile_overlayer_lowered  }
0x9b: {  	s22 =	simm.s32 $0x1BFF;
	s21 =	sshll.u32 s5, $0x1;
	s2 =	sadd.s32 s19, s18  }
0x9c: {  	s6 =	simm.s32 $0x0;
	s20 =	sshll.u32 s4, $0x1;
	s4 =	sadd.s32 s21, s2  }
0x9d: {  	[timem:s6], [sflag:s22] =	dma.local [hbm:s4], s20  }
0x9e: {  	_ =	swait.ge [sflag:s22], s20  }
0x9f: {  	s3 =	ssub.s32 $0x0, s20;
	[sflag:s22] =	ssyncset.done $0x0  }
0xa0: {  	[sflag:s22] =	ssyncadd.s32 s3;
	_ =	sdelay $0x1  }
0xa1: {  	s23 =	simm.s32 $0x1B8B  }
0xa2: {  	_ =	swait.ge [sflag:s23], $0x1  }
0xa3: {  	[sflag:s23] =	ssyncset.done $0x0  }
0xa4: {  	s25 =	simm.s32 $0x1B8E;
	s24 =	sld [smem:$0x3FFE];
	[sflag:s23] =	ssyncadd.s32 $0xFFFFFFFF  }
0xa5: {  	s26 =	simm.s32 $execute0_lowered;
	[smem:$0x3FD2] =	sst s25  }
0xa6: {  	s4 =	sshll.u32 s26, $0x1;
	_ =	strace $0x80000046;
	[dreg:$0x1] =	wrdreg $0xFFFFFFFF  }
0xa7: {  	s28 =	simm.s32 $_size_execute0_lowered;
	s2 =	sadd.s32 s2, s4;
	[dreg:$0x0] =	wrdreg $0x0  }
0xa8: {  	s4 =	sshll.u32 s28, $0x1;
	[dreg:$0x2] =	wrdreg s2  }
0xa9: {  	[dreg:$0x3] =	wrdreg s4  }
0xaa: {  	[dreg:$0x4] =	wrdreg $0xC0  }
0xab: {  	_ =	task [dreg:s6], $0x5FFFF  }
0xac: {  	[dreg:$0x1] =	wrdreg $0xFFFFFFFF  }
0xad: {  	[dreg:$0x0] =	wrdreg $0x60  }
0xae: {  	[dreg:$0x2] =	wrdreg s24  }
0xaf: {  	[dreg:$0x3] =	wrdreg $0x9  }
0xb0: {  	_ =	task.clear_ibuf [dreg:s6], $0x4FFFF;
	_ =	strace $0x90000046  }
0xb1: {  	s29 =	simm.s32 $0x9;
	_ =	strace $0x80000048  }
0xb2: {  	_ =	swait.ge [sflag:s29], $0x1  }
0xb3: {  	[sflag:s29] =	ssyncadd.s32 $0xFFFFFFFF  }
0xb4: {  	_ =	strace $0x90000048  }
0xb5: {  	_ =	sfence  }
0xb6: {  	s30 =	sld [smem:$0x0];
	_ =	sdelay $0x2  }
0xb7: {  	s31 =	sshll.u32 s1, $0xD;
	s1 =	sshrl.u32 s1, $0x2  }
0xb8: {  	s3 =	sand.u32 $0x4000, s31;
	s1 =	sadd.s32 s1, s30  }
0xb9: {  	s0 =	sor.u32 s3, s0;
	s1 =	sshll.u32 s1, $0x11  }
0xba: {  	s0 =	sor.u32 s1, s0  }
0xbb: {  	s0 =	sadd.s32 $0x8F2B, s0  }
0xbc: {  	[sflag:s0] =	ssyncadd.remote.s32 $0x1  }
0xbd: {  	_ =	sfence.sel $0xFFFF  }
0xbe: {  	[dreg:$0x0] =	wrdreg $0xFFFFFFFF;
	(pc) =	sbr.abs _section_cstart, $3  }
0xbf: {  	[dreg:$0x1] =	wrdreg $0xFFFFFFFF  }
0xc0: {  	_ =	task.clear_ibuf [dreg:s6], $0x2FFFF;
	_ =	strace $0x9FFFFFFF  }
0xc1: {  	(tm) =	ssettm $0x7FFFFFFF  }
tec
execute0_lowered:
.L_overlay_start_1:
0x0: {  	(tag) =	ssettag $0x1  }
0x1: {  	s1 =	stileid.u32  }
0x2: {  	p0 =	seq.s32 s1, $0xF  }
.Ltmp0:
0x3: {  	_ = 	snop;
	(pc) =	sbr.rel @!p0 .LBB2_1-.Ltmp0, $4  }
0x4: {  	_ = 	snop  }
0x5: {  	s5 =	rddreg [dreg:$0x0];
	s2 =	simm.s32 $0x0  }
0x6: {  	[smem:$0x7FF] =	sst s2  }
0x7: {  	s0 =	rddreg [dreg:$0x1];
	_ =	strace $0x80000047  }
.LBB2_19:
0x8: {  	_ =	sfence.sel $0x180000  }
0x9: {  	[bflag:$0x0] =	sbarrier.arrive $0xFFFF  }
0xa: {  	p0 =	sne.s32 s1, $0x0;
	_ =	strace $0x90000047  }
0xb: {  	s0 =	sadd.s32 @!p0 $0x100000, s0;
	[bflag:$0x2] =	sbarrier.arrive $0xFFFF  }
0xc: {  	[sflag:s0] =	ssyncadd.tile.s32 @!p0 $0x1;
	_ =	shalt  }
.LBB2_1:
0xd: {  	s3 =	srdreg.scid  }
0xe: {  	s25 =	sshll.u32 s1, $0x1;
	s11 =	sand.u32 $0x1, s3  }
0xf: {  	s3 =	sor.u32 s11, s25  }
0x10: {  	s4 =	smul.u32 $0x56, s3  }
0x11: {  	s12 =	sadd.s32 $0x1400, s5;
	s18 =	simm.s32 $0x1B000  }
0x12: {  	s19 =	simm.s32 $0xC800;
	s20 =	simm.s32 $0x2;
	s10 =	sshrl.u32 s4, $0x8  }
0x13: {  	s21 =	simm.s32 $0x200;
	s11 =	ssub.s32 $0x2, s11;
	s4 =	smul.u32 $0x3, s10  }
0x14: {  	s22 =	simm.s32 $0x3;
	s23 =	simm.s32 $0x0;
	s31 =	sshrl.u32 s11, $0x1  }
0x15: {  	s6 =	smul.u32 $0x32000, s10;
	s16 =	sshrl.u32 s10, $0x3;
	s3 =	ssub.s32 s3, s4  }
0x16: {  	s17 =	sshll.u32 s10, $0x7;
	s16 =	smul.u32 $0x64000, s16;
	s4 =	sand.u32 $0xFF, s3  }
0x17: {  	s30 =	sand.u32 $0x380, s17;
	s3 =	smul.u32 $0x1046B0, s4;
	s7 =	sshll.u32 s4, $0x7  }
0x18: {  	s17 =	simm.s32 $0x19000;
	s4 =	sadd.s32 $0x1A400, s5;
	s6 =	sor.u32 s7, s6  }
0x19: {  	s26 =	ssub.s32 $0x30D400, s3;
	s6 =	sshrl.u32 s6, $0x3;
	s28 =	sshrl.u32 s3, $0x3  }
0x1a: {  	s13 =	smin.u32 s26, $0x1046B0;
	s14 =	sadd.s32 s6, s5;
	s5 =	sadd.s32 s4, s28  }
0x1b: {  	s29 =	sadd.s32 $0xFFEFC000, s13;
	s6 =	sadd.s32 $0xFFFFE000, s13;
	s7 =	sadd.s32 $0x400, s5  }
0x1c: {  	s10 =	sadd.s32 $0x7C000, s14;
	s14 =	sor.u32 s30, s16;
	s13 =	sshll.u32 s13, $0x2  }
0x1d: {  	s16 =	simm.s32 $0x1;
	s9 =	sshrl.u32 s29, $0x4;
	s14 =	sshrl.u32 s14, $0x3  }
0x1e: {  	s13 =	ssub.s32 $0x418040, s13;
	s8 =	ssub.s32 $0x200, s9;
	s15 =	sand.u32 $0x1, s9  }
0x1f: {  	s13 =	sshra.s32 s13, $0x2;
	s9 =	ssub.s32 $0x200, s15;
	p0 =	seq.s32 s15, $0x1  }
0x20: {  	s15 =	ssub.s32 s11, s31;
	s11 =	sadd.s32 s12, s14;
	s13 =	sadd.s32 $0x19000, s13  }
0x21: {  	v0 =	vimm.f32 $0.0e+00;
	s14 =	simm.s32 $0x80;
	s12 =	smax.u32 s15, $0x1;
	s15 =	simm.s32 $0x400  }
.LBB2_2:
0x22: {  	[tilespmem:s2], [sflag:$0x1] =	stream.strided.gather [hbm4b:s11+s14], $0xC800, s15, s14, $0x38;
	[tilespmem:$0x1D000] =	vst v63  }
0x23: {  	s24 =	simm.s32 $0xC820  }
0x24: {  	[tilespmem:s24+$0xFFFFFFE0] =	vst v0  }
0x25: {  	[tilespmem:s24+$0x10] =	vst v0  }
0x26: {  	s25 =	simm.s32 $0x0;
	[tilespmem:s24+$0x0] =	vst v0  }
.LBB2_3:
0x27: {  	s25 =	sadd.s32 $0x4, s25  }
0x28: {  	[tilespmem:s24+$0xFFFFFFF0] =	vst v0;
	s24 =	sadd.s32 $0x40, s24;
	p1 =	slt.u32 s25, $0xC7C  }
.Ltmp1:
0x29: {  	[tilespmem:s24+$0xFFFFFFE0] =	vst v0;
	(pc) =	sbr.rel @p1 .LBB2_3-.Ltmp1, $3  }
0x2a: {  	_ =	sdelay $0x1  }
0x2b: {  	[tilespmem:s24+$0x10] =	vst v0  }
0x2c: {  	[tilespmem:s24+$0x0] =	vst v0  }
0x2d: {  	[tilespmem:s24+$0xFFFFFFF0] =	vst v0  }
0x2e: {  	_ =	swait.ge [sflag:s16], $0xC800  }
0x2f: {  	[sflag:s16] =	ssyncset.done $0x0  }
0x30: {  	s24 =	simm.s32 $0x0;
	[sflag:s16] =	ssyncadd.s32 $0xFFFF3800  }
0x31: {  	[tilespmem:s17], [sflag:$0x1] =	stream.linear.gather [hbm4b:s5+s24], $0x2000, $0x38;
	[tilespmem:$0x1D000] =	vst v63  }
0x32: {  	_ = 	snop  }
0x33: {  	[tilespmem:s18], [sflag:$0x2] =	stream.linear.gather [hbm4b:s7+s24], $0x2000, $0x38;
	[tilespmem:$0x1D000] =	vst v63  }
.LBB2_5:
0x34: {  	s25 =	sshll.u32 s24, $0xE  }
0x35: {  	s26 =	sadd.s32 $0x4000, s25  }
0x36: {  	s28 =	smov.u32 s6;
	p1 =	slt.s32 s26, s6  }
0x37: {  	s28 =	smov.u32 @p1 s26  }
0x38: {  	_ =	swait.ge [sflag:s16], $0x2000;
	s26 =	sadd.s32 s3, s28  }
0x39: {  	[sflag:s16] =	ssyncset.done $0x0;
	s26 =	sshrl.u32 s26, $0x3  }
0x3a: {  	[sflag:s16] =	ssyncadd.s32 $0xFFFFE000;
	s26 =	sadd.s32 s4, s26  }
0x3b: {  	[tilespmem:s17], [sflag:$0x1] =	stream.linear.gather [hbm4b:s26+s2], $0x2000, $0x38;
	[tilespmem:$0x1D000] =	vst v63  }
0x3c: {  	s26 =	simm.s32 $0x19080  }
0x3d: {  	v11 =	vld [tilespmem:s26+$0xFFFFFF90]  }
0x3e: {  	v4 =	vld [tilespmem:s26+$0xFFFFFFC0]  }
0x3f: {  	v3 =	vld [tilespmem:s26+$0xFFFFFFD0]  }
0x40: {  	v2 =	vld [tilespmem:s26+$0xFFFFFFE0]  }
0x41: {  	v14 =	vld [tilespmem:s26+$0xFFFFFFF0]  }
0x42: {  	v5 =	vld [tilespmem:s26+$0xFFFFFF80]  }
0x43: {  	v6 =	vld [tilespmem:s26+$0x70]  }
0x44: {  	v7 =	vld [tilespmem:s26+$0x60]  }
0x45: {  	v8 =	vld [tilespmem:s26+$0x50]  }
0x46: {  	v1 =	vld [tilespmem:s26+$0xFFFFFFA0]  }
0x47: {  	v10 =	vld [tilespmem:s26+$0x40]  }
0x48: {  	v12 =	vld [tilespmem:s26+$0x30];
	v9 =	vand.u32 $0xFFFF, v5  }
0x49: {  	v15 =	vld [tilespmem:s26+$0x20];
	v13 =	vand.u32 $0xFFFF, v6  }
0x4a: {  	v17 =	vld [tilespmem:s26+$0x10];
	v16 =	vand.u32 $0xFFFF, v7  }
0x4b: {  	v19 =	vld [tilespmem:s26+$0x0];
	v18 =	vand.u32 $0xFFFF, v8  }
0x4c: {  	v22 =	vld [tilespmem:s26+$0xFFFFFFB0];
	v20 =	vand.u32 $0xFFFF, v10  }
0x4d: {  	v5 =	vshrl.u32 v5, $0x10;
	v9 =	vld.idx.msk [tilespmem:v9+s2+$0x0], $0xffff  }
0x4e: {  	v21 =	vand.u32 $0xFFFF, v15;
	v13 =	vld.idx.msk [tilespmem:v13+s2+$0x0], $0xffff  }
0x4f: {  	v6 =	vshrl.u32 v6, $0x10;
	v16 =	vld.idx.msk [tilespmem:v16+s2+$0x0], $0xffff  }
0x50: {  	v7 =	vshrl.u32 v7, $0x10;
	v18 =	vld.idx.msk [tilespmem:v18+s2+$0x0], $0xffff  }
0x51: {  	v23 =	vand.u32 $0xFFFF, v12;
	v20 =	vld.idx.msk [tilespmem:v20+s2+$0x0], $0xffff  }
0x52: {  	v8 =	vshrl.u32 v8, $0x10;
	[tilespmem:v5+s19+$0x0] =	vst.idx.add.f32.msk $0xffff, v9  }
0x53: {  	v5 =	vand.u32 $0xFFFF, v19;
	v9 =	vld.idx.msk [tilespmem:v21+s2+$0x0], $0xffff  }
0x54: {  	v62 =	vand.u32 $0xFFFF, v14;
	[tilespmem:v6+s19+$0x0] =	vst.idx.add.f32.msk $0xffff, v13  }
0x55: {  	v6 =	vand.u32 $0xFFFF, v17;
	[tilespmem:v7+s19+$0x0] =	vst.idx.add.f32.msk $0xffff, v16  }
0x56: {  	v7 =	vshrl.u32 v10, $0x10;
	v10 =	vld.idx.msk [tilespmem:v23+s2+$0x0], $0xffff  }
0x57: {  	v16 =	vand.u32 $0xFFFF, v3;
	[tilespmem:v8+s19+$0x0] =	vst.idx.add.f32.msk $0xffff, v18  }
0x58: {  	v8 =	vld.idx.msk [tilespmem:v5+s2+$0x0], $0xffff;
	v5 =	vshrl.u32 v15, $0x10;
	v15 =	vshrl.u32 v12, $0x10  }
0x59: {  	v18 =	vand.u32 $0xFFFF, v4;
	v13 =	vld.idx.msk [tilespmem:v62+s2+$0x0], $0xffff  }
0x5a: {  	v12 =	vld.idx.msk [tilespmem:v6+s2+$0x0], $0xffff  }
0x5b: {  	v63 =	vand.u32 $0xFFFF, v2;
	[tilespmem:v7+s19+$0x0] =	vst.idx.add.f32.msk $0xffff, v20  }
0x5c: {  	v20 =	vand.u32 $0xFFFF, v22;
	v6 =	vld.idx.msk [tilespmem:v16+s2+$0x0], $0xffff  }
0x5d: {  	[tilespmem:v15+s19+$0x0] =	vst.idx.add.f32.msk $0xffff, v10;
	v15 =	vshrl.u32 v14, $0x10  }
0x5e: {  	v7 =	vld.idx.msk [tilespmem:v18+s2+$0x0], $0xffff;
	v16 =	vshrl.u32 v19, $0x10  }
0x5f: {  	v2 =	vshrl.u32 v2, $0x10;
	v17 =	vshrl.u32 v17, $0x10;
	[tilespmem:v5+s19+$0x0] =	vst.idx.add.f32.msk $0xffff, v9  }
0x60: {  	v3 =	vshrl.u32 v3, $0x10;
	v4 =	vshrl.u32 v4, $0x10;
	v9 =	vand.u32 $0xFFFF, v1;
	v14 =	vld.idx.msk [tilespmem:v63+s2+$0x0], $0xffff  }
0x61: {  	s28 =	simm.s32 $0x0;
	v5 =	vshrl.u32 v22, $0x10;
	v10 =	vand.u32 $0xFFFF, v11;
	v11 =	vshrl.u32 v11, $0x10;
	v18 =	vld.idx.msk [tilespmem:v20+s2+$0x0], $0xffff  }
.LBB2_6:
0x62: {  	s28 =	sadd.s32 $0x10, s28;
	[tilespmem:v15+s19+$0x0] =	vst.idx.add.f32.msk $0xffff, v13;
	s26 =	sadd.s32 $0x100, s26  }
0x63: {  	p1 =	slt.u32 s28, $0x1F0;
	[tilespmem:v16+s19+$0x0] =	vst.idx.add.f32.msk $0xffff, v8  }
0x64: {  	[tilespmem:v17+s19+$0x0] =	vst.idx.add.f32.msk $0xffff, v12  }
0x65: {  	v8 =	vld.idx.msk [tilespmem:v9+s2+$0x0], $0xffff  }
0x66: {  	v1 =	vshrl.u32 v1, $0x10;
	v9 =	vld.idx.msk [tilespmem:v10+s2+$0x0], $0xffff  }
0x67: {  	[tilespmem:v5+s19+$0x0] =	vst.idx.add.f32.msk $0xffff, v18  }
0x68: {  	[tilespmem:v2+s19+$0x0] =	vst.idx.add.f32.msk $0xffff, v14  }
0x69: {  	[tilespmem:v3+s19+$0x0] =	vst.idx.add.f32.msk $0xffff, v6  }
0x6a: {  	[tilespmem:v4+s19+$0x0] =	vst.idx.add.f32.msk $0xffff, v7  }
0x6b: {  	[tilespmem:v1+s19+$0x0] =	vst.idx.add.f32.msk $0xffff, v8  }
0x6c: {  	[tilespmem:v11+s19+$0x0] =	vst.idx.add.f32.msk $0xffff, v9  }
0x6d: {  	v7 =	vld [tilespmem:s26+$0xFFFFFF90]  }
0x6e: {  	v5 =	vld [tilespmem:s26+$0xFFFFFFC0]  }
0x6f: {  	v4 =	vld [tilespmem:s26+$0xFFFFFFD0]  }
0x70: {  	v3 =	vld [tilespmem:s26+$0xFFFFFFE0]  }
0x71: {  	v6 =	vld [tilespmem:s26+$0xFFFFFFF0]  }
0x72: {  	v2 =	vld [tilespmem:s26+$0xFFFFFF80]  }
0x73: {  	v8 =	vld [tilespmem:s26+$0x70]  }
0x74: {  	v9 =	vld [tilespmem:s26+$0x60]  }
0x75: {  	v10 =	vld [tilespmem:s26+$0x50]  }
0x76: {  	v1 =	vld [tilespmem:s26+$0xFFFFFFA0]  }
0x77: {  	v11 =	vand.u32 $0xFFFF, v2;
	v12 =	vld [tilespmem:s26+$0x40]  }
0x78: {  	v13 =	vld [tilespmem:s26+$0x30];
	v14 =	vand.u32 $0xFFFF, v8  }
0x79: {  	v15 =	vld [tilespmem:s26+$0x20];
	v16 =	vand.u32 $0xFFFF, v9  }
0x7a: {  	v17 =	vld [tilespmem:s26+$0x10];
	v18 =	vand.u32 $0xFFFF, v10  }
0x7b: {  	v19 =	vld [tilespmem:s26+$0x0]  }
0x7c: {  	v11 =	vld.idx.msk [tilespmem:v11+s2+$0x0], $0xffff;
	v20 =	vand.u32 $0xFFFF, v12  }
0x7d: {  	v2 =	vshrl.u32 v2, $0x10;
	v14 =	vld.idx.msk [tilespmem:v14+s2+$0x0], $0xffff  }
0x7e: {  	v8 =	vshrl.u32 v8, $0x10;
	v21 =	vand.u32 $0xFFFF, v15;
	v16 =	vld.idx.msk [tilespmem:v16+s2+$0x0], $0xffff  }
0x7f: {  	v9 =	vshrl.u32 v9, $0x10;
	v23 =	vand.u32 $0xFFFF, v13;
	v22 =	vand.u32 $0xFFFF, v17;
	v18 =	vld.idx.msk [tilespmem:v18+s2+$0x0], $0xffff  }
0x80: {  	v26 =	vshrl.u32 v10, $0x10;
	v24 =	vld [tilespmem:s26+$0xFFFFFFB0];
	v25 =	vand.u32 $0xFFFF, v19  }
0x81: {  	v27 =	vand.u32 $0xFFFF, v6;
	v20 =	vld.idx.msk [tilespmem:v20+s2+$0x0], $0xffff  }
0x82: {  	v28 =	vand.u32 $0xFFFF, v3;
	[tilespmem:v2+s19+$0x0] =	vst.idx.add.f32.msk $0xffff, v11;
	v2 =	vshrl.u32 v3, $0x10  }
0x83: {  	v29 =	vshrl.u32 v12, $0x10;
	v3 =	vshrl.u32 v4, $0x10;
	v11 =	vand.u32 $0xFFFF, v4;
	v21 =	vld.idx.msk [tilespmem:v21+s2+$0x0], $0xffff  }
0x84: {  	v30 =	vand.u32 $0xFFFF, v5;
	v4 =	vshrl.u32 v5, $0x10;
	[tilespmem:v8+s19+$0x0] =	vst.idx.add.f32.msk $0xffff, v14  }
0x85: {  	v14 =	vshrl.u32 v15, $0x10;
	v5 =	vshrl.u32 v24, $0x10;
	v24 =	vand.u32 $0xFFFF, v24;
	[tilespmem:v9+s19+$0x0] =	vst.idx.add.f32.msk $0xffff, v16  }
0x86: {  	v9 =	vand.u32 $0xFFFF, v1;
	v23 =	vld.idx.msk [tilespmem:v23+s2+$0x0], $0xffff  }
0x87: {  	v10 =	vand.u32 $0xFFFF, v7;
	v31 =	vshrl.u32 v13, $0x10;
	[tilespmem:v26+s19+$0x0] =	vst.idx.add.f32.msk $0xffff, v18  }
0x88: {  	v8 =	vld.idx.msk [tilespmem:v25+s2+$0x0], $0xffff  }
0x89: {  	v13 =	vld.idx.msk [tilespmem:v27+s2+$0x0], $0xffff  }
0x8a: {  	v15 =	vshrl.u32 v6, $0x10;
	v12 =	vld.idx.msk [tilespmem:v22+s2+$0x0], $0xffff  }
0x8b: {  	v16 =	vshrl.u32 v19, $0x10;
	[tilespmem:v29+s19+$0x0] =	vst.idx.add.f32.msk $0xffff, v20  }
0x8c: {  	v17 =	vshrl.u32 v17, $0x10;
	v6 =	vld.idx.msk [tilespmem:v11+s2+$0x0], $0xffff  }
.Ltmp2:
0x8d: {  	v11 =	vshrl.u32 v7, $0x10;
	v7 =	vld.idx.msk [tilespmem:v30+s2+$0x0], $0xffff;
	(pc) =	sbr.rel @p1 .LBB2_6-.Ltmp2, $4  }
0x8e: {  	[tilespmem:v14+s19+$0x0] =	vst.idx.add.f32.msk $0xffff, v21  }
0x8f: {  	[tilespmem:v31+s19+$0x0] =	vst.idx.add.f32.msk $0xffff, v23  }
0x90: {  	v14 =	vld.idx.msk [tilespmem:v28+s2+$0x0], $0xffff  }
0x91: {  	v18 =	vld.idx.msk [tilespmem:v24+s2+$0x0], $0xffff  }
0x92: {  	_ =	sdelay $0x3  }
0x93: {  	[tilespmem:v15+s19+$0x0] =	vst.idx.add.f32.msk $0xffff, v13  }
0x94: {  	[tilespmem:v16+s19+$0x0] =	vst.idx.add.f32.msk $0xffff, v8  }
0x95: {  	[tilespmem:v17+s19+$0x0] =	vst.idx.add.f32.msk $0xffff, v12  }
0x96: {  	v8 =	vld.idx.msk [tilespmem:v9+s2+$0x0], $0xffff  }
0x97: {  	v9 =	vld.idx.msk [tilespmem:v10+s2+$0x0], $0xffff;
	v1 =	vshrl.u32 v1, $0x10  }
0x98: {  	[tilespmem:v3+s19+$0x0] =	vst.idx.add.f32.msk $0xffff, v6  }
0x99: {  	p1 =	seq.s32 s24, $0x40;
	[tilespmem:v4+s19+$0x0] =	vst.idx.add.f32.msk $0xffff, v7  }
0x9a: {  	s25 =	sadd.s32 @!p1 $0x6000, s25;
	[tilespmem:v2+s19+$0x0] =	vst.idx.add.f32.msk $0xffff, v14  }
0x9b: {  	p2 =	slt.s32 @!p1 s25, s6;
	[tilespmem:v5+s19+$0x0] =	vst.idx.add.f32.msk $0xffff, v18  }
0x9c: {  	p2 =	por !p2, p1;
	[tilespmem:v1+s19+$0x0] =	vst.idx.add.f32.msk $0xffff, v8  }
0x9d: {  	s25 =	smov.u32 @p2 s6;
	[tilespmem:v11+s19+$0x0] =	vst.idx.add.f32.msk $0xffff, v9  }
0x9e: {  	s25 =	sadd.s32 @!p1 s3, s25;
	_ =	swait.ge [sflag:s20], $0x2000  }
0x9f: {  	s26 =	simm.s32 @!p1 $0x0;
	s25 =	sshrl.u32 @!p1 s25, $0x3;
	[sflag:s20] =	ssyncset.done $0x0  }
0xa0: {  	s28 =	simm.s32 @!p1 $0x1B000;
	s25 =	sadd.s32 @!p1 s4, s25;
	[sflag:s20] =	ssyncadd.s32 $0xFFFFE000  }
0xa1: {  	[tilespmem:s28], [sflag:$0x2] =	stream.linear.gather @!p1 [hbm4b:s25+s26], $0x2000, $0x38;
	[tilespmem:$0x1D000] =	vst v63  }
0xa2: {  	s25 =	simm.s32 $0x1B080  }
0xa3: {  	v11 =	vld [tilespmem:s25+$0xFFFFFF90]  }
0xa4: {  	v4 =	vld [tilespmem:s25+$0xFFFFFFC0]  }
0xa5: {  	v3 =	vld [tilespmem:s25+$0xFFFFFFD0]  }
0xa6: {  	v2 =	vld [tilespmem:s25+$0xFFFFFFE0]  }
0xa7: {  	v14 =	vld [tilespmem:s25+$0xFFFFFFF0]  }
0xa8: {  	v5 =	vld [tilespmem:s25+$0xFFFFFF80]  }
0xa9: {  	v6 =	vld [tilespmem:s25+$0x70]  }
0xaa: {  	v7 =	vld [tilespmem:s25+$0x60]  }
0xab: {  	v8 =	vld [tilespmem:s25+$0x50]  }
0xac: {  	v1 =	vld [tilespmem:s25+$0xFFFFFFA0]  }
0xad: {  	v10 =	vld [tilespmem:s25+$0x40]  }
0xae: {  	v12 =	vld [tilespmem:s25+$0x30];
	v9 =	vand.u32 $0xFFFF, v5  }
0xaf: {  	v15 =	vld [tilespmem:s25+$0x20];
	v13 =	vand.u32 $0xFFFF, v6  }
0xb0: {  	v17 =	vld [tilespmem:s25+$0x10];
	v16 =	vand.u32 $0xFFFF, v7  }
0xb1: {  	v19 =	vld [tilespmem:s25+$0x0];
	v18 =	vand.u32 $0xFFFF, v8  }
0xb2: {  	v22 =	vld [tilespmem:s25+$0xFFFFFFB0];
	v20 =	vand.u32 $0xFFFF, v10  }
0xb3: {  	v5 =	vshrl.u32 v5, $0x10;
	v9 =	vld.idx.msk [tilespmem:v9+s2+$0x0], $0xffff  }
0xb4: {  	v21 =	vand.u32 $0xFFFF, v15;
	v13 =	vld.idx.msk [tilespmem:v13+s2+$0x0], $0xffff  }
0xb5: {  	v6 =	vshrl.u32 v6, $0x10;
	v16 =	vld.idx.msk [tilespmem:v16+s2+$0x0], $0xffff  }
0xb6: {  	v7 =	vshrl.u32 v7, $0x10;
	v18 =	vld.idx.msk [tilespmem:v18+s2+$0x0], $0xffff  }
0xb7: {  	v23 =	vand.u32 $0xFFFF, v12;
	v20 =	vld.idx.msk [tilespmem:v20+s2+$0x0], $0xffff  }
0xb8: {  	v8 =	vshrl.u32 v8, $0x10;
	[tilespmem:v5+s19+$0x0] =	vst.idx.add.f32.msk $0xffff, v9  }
0xb9: {  	v5 =	vand.u32 $0xFFFF, v19;
	v9 =	vld.idx.msk [tilespmem:v21+s2+$0x0], $0xffff  }
0xba: {  	v62 =	vand.u32 $0xFFFF, v14;
	[tilespmem:v6+s19+$0x0] =	vst.idx.add.f32.msk $0xffff, v13  }
0xbb: {  	v10 =	vshrl.u32 v10, $0x10;
	[tilespmem:v7+s19+$0x0] =	vst.idx.add.f32.msk $0xffff, v16  }
0xbc: {  	v6 =	vand.u32 $0xFFFF, v17;
	v16 =	vld.idx.msk [tilespmem:v23+s2+$0x0], $0xffff  }
0xbd: {  	v63 =	vand.u32 $0xFFFF, v3;
	[tilespmem:v8+s19+$0x0] =	vst.idx.add.f32.msk $0xffff, v18  }
0xbe: {  	v7 =	vld.idx.msk [tilespmem:v5+s2+$0x0], $0xffff;
	v5 =	vshrl.u32 v15, $0x10;
	v15 =	vshrl.u32 v12, $0x10  }
0xbf: {  	v8 =	vand.u32 $0xFFFF, v4;
	v13 =	vld.idx.msk [tilespmem:v62+s2+$0x0], $0xffff  }
0xc0: {  	[tilespmem:v10+s19+$0x0] =	vst.idx.add.f32.msk $0xffff, v20  }
0xc1: {  	v18 =	vand.u32 $0xFFFF, v2;
	v12 =	vld.idx.msk [tilespmem:v6+s2+$0x0], $0xffff  }
0xc2: {  	v20 =	vand.u32 $0xFFFF, v22;
	v6 =	vld.idx.msk [tilespmem:v63+s2+$0x0], $0xffff  }
0xc3: {  	[tilespmem:v15+s19+$0x0] =	vst.idx.add.f32.msk $0xffff, v16;
	v15 =	vshrl.u32 v14, $0x10  }
0xc4: {  	v8 =	vld.idx.msk [tilespmem:v8+s2+$0x0], $0xffff;
	v16 =	vshrl.u32 v19, $0x10  }
0xc5: {  	v3 =	vshrl.u32 v3, $0x10;
	v17 =	vshrl.u32 v17, $0x10;
	[tilespmem:v5+s19+$0x0] =	vst.idx.add.f32.msk $0xffff, v9  }
0xc6: {  	v2 =	vshrl.u32 v2, $0x10;
	v4 =	vshrl.u32 v4, $0x10;
	v9 =	vand.u32 $0xFFFF, v1;
	v14 =	vld.idx.msk [tilespmem:v18+s2+$0x0], $0xffff  }
0xc7: {  	s26 =	simm.s32 $0x0;
	v10 =	vand.u32 $0xFFFF, v11;
	v11 =	vshrl.u32 v11, $0x10;
	v5 =	vshrl.u32 v22, $0x10;
	v18 =	vld.idx.msk [tilespmem:v20+s2+$0x0], $0xffff  }
.LBB2_8:
0xc8: {  	s26 =	sadd.s32 $0x10, s26;
	[tilespmem:v15+s19+$0x0] =	vst.idx.add.f32.msk $0xffff, v13;
	s25 =	sadd.s32 $0x100, s25  }
0xc9: {  	p1 =	slt.u32 s26, $0x1F0;
	[tilespmem:v16+s19+$0x0] =	vst.idx.add.f32.msk $0xffff, v7  }
0xca: {  	[tilespmem:v17+s19+$0x0] =	vst.idx.add.f32.msk $0xffff, v12  }
0xcb: {  	v7 =	vld.idx.msk [tilespmem:v9+s2+$0x0], $0xffff  }
0xcc: {  	v1 =	vshrl.u32 v1, $0x10;
	v9 =	vld.idx.msk [tilespmem:v10+s2+$0x0], $0xffff  }
0xcd: {  	[tilespmem:v5+s19+$0x0] =	vst.idx.add.f32.msk $0xffff, v18  }
0xce: {  	[tilespmem:v2+s19+$0x0] =	vst.idx.add.f32.msk $0xffff, v14  }
0xcf: {  	[tilespmem:v3+s19+$0x0] =	vst.idx.add.f32.msk $0xffff, v6  }
0xd0: {  	[tilespmem:v4+s19+$0x0] =	vst.idx.add.f32.msk $0xffff, v8  }
0xd1: {  	[tilespmem:v1+s19+$0x0] =	vst.idx.add.f32.msk $0xffff, v7  }
0xd2: {  	[tilespmem:v11+s19+$0x0] =	vst.idx.add.f32.msk $0xffff, v9  }
0xd3: {  	v8 =	vld [tilespmem:s25+$0xFFFFFF90]  }
0xd4: {  	v5 =	vld [tilespmem:s25+$0xFFFFFFC0]  }
0xd5: {  	v4 =	vld [tilespmem:s25+$0xFFFFFFD0]  }
0xd6: {  	v3 =	vld [tilespmem:s25+$0xFFFFFFE0]  }
0xd7: {  	v6 =	vld [tilespmem:s25+$0xFFFFFFF0]  }
0xd8: {  	v2 =	vld [tilespmem:s25+$0xFFFFFF80]  }
0xd9: {  	v7 =	vld [tilespmem:s25+$0x70]  }
0xda: {  	v9 =	vld [tilespmem:s25+$0x60]  }
0xdb: {  	v10 =	vld [tilespmem:s25+$0x50]  }
0xdc: {  	v1 =	vld [tilespmem:s25+$0xFFFFFFA0]  }
0xdd: {  	v11 =	vand.u32 $0xFFFF, v2;
	v12 =	vld [tilespmem:s25+$0x40]  }
0xde: {  	v13 =	vld [tilespmem:s25+$0x30];
	v14 =	vand.u32 $0xFFFF, v7  }
0xdf: {  	v15 =	vld [tilespmem:s25+$0x20];
	v16 =	vand.u32 $0xFFFF, v9  }
0xe0: {  	v17 =	vld [tilespmem:s25+$0x10];
	v18 =	vand.u32 $0xFFFF, v10  }
0xe1: {  	v19 =	vld [tilespmem:s25+$0x0]  }
0xe2: {  	v11 =	vld.idx.msk [tilespmem:v11+s2+$0x0], $0xffff;
	v20 =	vand.u32 $0xFFFF, v12  }
0xe3: {  	v2 =	vshrl.u32 v2, $0x10;
	v14 =	vld.idx.msk [tilespmem:v14+s2+$0x0], $0xffff  }
0xe4: {  	v7 =	vshrl.u32 v7, $0x10;
	v21 =	vand.u32 $0xFFFF, v15;
	v16 =	vld.idx.msk [tilespmem:v16+s2+$0x0], $0xffff  }
0xe5: {  	v9 =	vshrl.u32 v9, $0x10;
	v23 =	vand.u32 $0xFFFF, v13;
	v22 =	vand.u32 $0xFFFF, v17;
	v18 =	vld.idx.msk [tilespmem:v18+s2+$0x0], $0xffff  }
0xe6: {  	v26 =	vshrl.u32 v10, $0x10;
	v24 =	vld [tilespmem:s25+$0xFFFFFFB0];
	v25 =	vand.u32 $0xFFFF, v19  }
0xe7: {  	v27 =	vand.u32 $0xFFFF, v6;
	v20 =	vld.idx.msk [tilespmem:v20+s2+$0x0], $0xffff  }
0xe8: {  	v28 =	vand.u32 $0xFFFF, v3;
	[tilespmem:v2+s19+$0x0] =	vst.idx.add.f32.msk $0xffff, v11;
	v2 =	vshrl.u32 v3, $0x10  }
0xe9: {  	v29 =	vshrl.u32 v12, $0x10;
	v3 =	vshrl.u32 v4, $0x10;
	v11 =	vand.u32 $0xFFFF, v4;
	v21 =	vld.idx.msk [tilespmem:v21+s2+$0x0], $0xffff  }
0xea: {  	v30 =	vand.u32 $0xFFFF, v5;
	v4 =	vshrl.u32 v5, $0x10;
	[tilespmem:v7+s19+$0x0] =	vst.idx.add.f32.msk $0xffff, v14  }
0xeb: {  	v14 =	vshrl.u32 v15, $0x10;
	v5 =	vshrl.u32 v24, $0x10;
	v24 =	vand.u32 $0xFFFF, v24;
	[tilespmem:v9+s19+$0x0] =	vst.idx.add.f32.msk $0xffff, v16  }
0xec: {  	v9 =	vand.u32 $0xFFFF, v1;
	v23 =	vld.idx.msk [tilespmem:v23+s2+$0x0], $0xffff  }
0xed: {  	v10 =	vand.u32 $0xFFFF, v8;
	v31 =	vshrl.u32 v13, $0x10;
	[tilespmem:v26+s19+$0x0] =	vst.idx.add.f32.msk $0xffff, v18  }
0xee: {  	v7 =	vld.idx.msk [tilespmem:v25+s2+$0x0], $0xffff  }
0xef: {  	v13 =	vld.idx.msk [tilespmem:v27+s2+$0x0], $0xffff  }
0xf0: {  	v15 =	vshrl.u32 v6, $0x10;
	v12 =	vld.idx.msk [tilespmem:v22+s2+$0x0], $0xffff  }
0xf1: {  	v16 =	vshrl.u32 v19, $0x10;
	[tilespmem:v29+s19+$0x0] =	vst.idx.add.f32.msk $0xffff, v20  }
0xf2: {  	v17 =	vshrl.u32 v17, $0x10;
	v6 =	vld.idx.msk [tilespmem:v11+s2+$0x0], $0xffff  }
.Ltmp3:
0xf3: {  	v11 =	vshrl.u32 v8, $0x10;
	v8 =	vld.idx.msk [tilespmem:v30+s2+$0x0], $0xffff;
	(pc) =	sbr.rel @p1 .LBB2_8-.Ltmp3, $4  }
0xf4: {  	[tilespmem:v14+s19+$0x0] =	vst.idx.add.f32.msk $0xffff, v21  }
0xf5: {  	[tilespmem:v31+s19+$0x0] =	vst.idx.add.f32.msk $0xffff, v23  }
0xf6: {  	v14 =	vld.idx.msk [tilespmem:v28+s2+$0x0], $0xffff  }
0xf7: {  	v18 =	vld.idx.msk [tilespmem:v24+s2+$0x0], $0xffff  }
0xf8: {  	_ =	sdelay $0x3  }
0xf9: {  	[tilespmem:v15+s19+$0x0] =	vst.idx.add.f32.msk $0xffff, v13  }
0xfa: {  	[tilespmem:v16+s19+$0x0] =	vst.idx.add.f32.msk $0xffff, v7  }
0xfb: {  	[tilespmem:v17+s19+$0x0] =	vst.idx.add.f32.msk $0xffff, v12  }
0xfc: {  	v62 =	vld.idx.msk [tilespmem:v9+s2+$0x0], $0xffff  }
0xfd: {  	v63 =	vld.idx.msk [tilespmem:v10+s2+$0x0], $0xffff;
	v1 =	vshrl.u32 v1, $0x10;
	s24 =	sadd.s32 $0x1, s24  }
0xfe: {  	[tilespmem:v3+s19+$0x0] =	vst.idx.add.f32.msk $0xffff, v6;
	p1 =	sne.s32 s24, $0x41  }
.Ltmp4:
0xff: {  	[tilespmem:v4+s19+$0x0] =	vst.idx.add.f32.msk $0xffff, v8;
	(pc) =	sbr.rel @p1 .LBB2_5-.Ltmp4, $4  }
0x100: {  	[tilespmem:v2+s19+$0x0] =	vst.idx.add.f32.msk $0xffff, v14  }
0x101: {  	[tilespmem:v5+s19+$0x0] =	vst.idx.add.f32.msk $0xffff, v18  }
0x102: {  	[tilespmem:v1+s19+$0x0] =	vst.idx.add.f32.msk $0xffff, v62  }
0x103: {  	[tilespmem:v11+s19+$0x0] =	vst.idx.add.f32.msk $0xffff, v63  }
0x104: {  	s24 =	sadd.s32 $0x2, s8  }
0x105: {  	p3 =	slt.u32 s24, s9  }
.Ltmp5:
0x106: {  	_ =	swait.ge [sflag:s16], $0x2000;
	(pc) =	sbr.rel @!p3 .LBB2_11-.Ltmp5, $4  }
0x107: {  	[sflag:s16] =	ssyncset.done $0x0  }
0x108: {  	[sflag:s16] =	ssyncadd.s32 $0xFFFFE000  }
0x109: {  	v8 =	vld [tilespmem:s13+$0xFFFFFFF0]  }
0x10a: {  	s25 =	sadd.s32 $0x20, s13;
	p1 =	por $0x0, $0x0;
	p2 =	por $0x0, $0x0;
	v10 =	vld [tilespmem:s13+$0x0]  }
0x10b: {  	_ =	sdelay $0x2  }
0x10c: {  	s24 =	sadd.s32 $0x2, s24;
	v1 =	vand.u32 $0xFFFF, v8  }
0x10d: {  	p3 =	slt.u32 s24, s9  }
.Ltmp6:
0x10e: {  	_ = 	snop;
	(pc) =	sbr.rel @!p3 .LBB2_13-.Ltmp6, $4  }
0x10f: {  	_ = 	snop  }
0x110: {  	v9 =	vld [tilespmem:s25+$0xFFFFFFF0]  }
0x111: {  	v7 =	vld.idx.msk [tilespmem:v1+s2+$0x0], $0xffff  }
0x112: {  	v6 =	vld [tilespmem:s25+$0x0];
	s25 =	sadd.s32 $0x20, s25;
	p1 =	por $0x1, $0x1;
	v11 =	vand.u32 $0xFFFF, v10  }
0x113: {  	_ = 	snop  }
0x114: {  	s24 =	sadd.s32 $0x2, s24  }
0x115: {  	p3 =	slt.u32 s24, s9;
	v12 =	vand.u32 $0xFFFF, v9  }
.Ltmp7:
0x116: {  	v2 =	vld [tilespmem:s25+$0xFFFFFFF0];
	(pc) =	sbr.rel @!p3 .LBB2_15-.Ltmp7, $3  }
0x117: {  	v1 =	vld [tilespmem:s25+$0x0];
	_ =	sdelay $0x1  }
0x118: {  	v3 =	vld.idx.msk [tilespmem:v11+s2+$0x0], $0xffff;
	v5 =	vshrl.u32 v8, $0x10  }
0x119: {  	v4 =	vshrl.u32 v10, $0x10;
	s25 =	sadd.s32 $0x20, s25;
	p2 =	por $0x1, $0x1;
	v11 =	vand.u32 $0xFFFF, v6;
	v12 =	vld.idx.msk [tilespmem:v12+s2+$0x0], $0xffff  }
.LBB2_16:
0x11a: {  	s24 =	sadd.s32 $0x2, s24  }
0x11b: {  	v8 =	vld [tilespmem:s25+$0xFFFFFFF0];
	v10 =	vand.u32 $0xFFFF, v2;
	v13 =	vmov v1;
	p3 =	slt.u32 s24, s9  }
.Ltmp8:
0x11c: {  	v1 =	vld [tilespmem:s25+$0x0];
	v14 =	vand.u32 $0xFFFF, v13;
	(pc) =	sbr.rel @p3 .LBB2_16-.Ltmp8, $4  }
0x11d: {  	[tilespmem:v5+s19+$0x0] =	vst.idx.add.f32.msk $0xffff, v7;
	v5 =	vshrl.u32 v9, $0x10;
	v9 =	vmov v2  }
0x11e: {  	v15 =	vmov v3;
	v3 =	vld.idx.msk [tilespmem:v11+s2+$0x0], $0xffff;
	v11 =	vmov v14  }
0x11f: {  	[tilespmem:v4+s19+$0x0] =	vst.idx.add.f32.msk $0xffff, v15;
	v4 =	vshrl.u32 v6, $0x10;
	v6 =	vmov v13  }
0x120: {  	s25 =	sadd.s32 $0x20, s25;
	v7 =	vmov v12;
	v2 =	vmov v8;
	v12 =	vld.idx.msk [tilespmem:v10+s2+$0x0], $0xffff  }
0x121: {  	_ =	sdelay $0x3  }
0x122: {  	v13 =	vmovc v7;
	v8 =	vmov v9;
	v10 =	vmov v6;
	v7 =	vmov v12  }
.LBB2_18:
0x123: {  	_ =	sdelay $0x1  }
0x124: {  	v6 =	vand.u32 $0xFFFF, v2  }
0x125: {  	v9 =	vand.u32 $0xFFFF, v1  }
0x126: {  	v8 =	vshrl.u32 @p1 v8, $0x10;
	v11 =	vld.idx.msk @p1 [tilespmem:v11+s2+$0x0], $0xffff  }
0x127: {  	v10 =	vshrl.u32 @p1 v10, $0x10;
	[tilespmem:v5+s19+$0x0] =	vst.idx.add.f32.msk @p2 $0xffff, v13;
	v8 =	vpsel p1, v8, v0  }
0x128: {  	[tilespmem:v4+s19+$0x0] =	vst.idx.add.f32.msk @p2 $0xffff, v3;
	v5 =	vpsel p1, v10, v0  }
0x129: {  	v2 =	vshrl.u32 v2, $0x10;
	v3 =	vpsel p1, v7, v0;
	v6 =	vld.idx.msk [tilespmem:v6+s2+$0x0], $0xffff  }
0x12a: {  	v1 =	vshrl.u32 v1, $0x10;
	v9 =	vld.idx.msk [tilespmem:v9+s2+$0x0], $0xffff  }
0x12b: {  	v4 =	vpsel p1, v11, v0  }
0x12c: {  	[tilespmem:v8+s19+$0x0] =	vst.idx.add.f32.msk @p1 $0xffff, v3;
	v3 =	vmov @p1 v4  }
0x12d: {  	[tilespmem:v5+s19+$0x0] =	vst.idx.add.f32.msk @p1 $0xffff, v3  }
0x12e: {  	[tilespmem:v2+s19+$0x0] =	vst.idx.add.f32.msk $0xffff, v6  }
0x12f: {  	[tilespmem:v1+s19+$0x0] =	vst.idx.add.f32.msk $0xffff, v9  }
0x130: {  	v1 =	vld @p0 [tilespmem:$0x1AFF0];
	_ =	sdelay $0x4  }
0x131: {  	v2 =	vand.u32 @p0 $0xFFFF, v1;
	_ =	sdelay $0x3  }
0x132: {  	s24 =	simm.s32 @p0 $0x0  }
0x133: {  	v1 =	vshrl.u32 @p0 v1, $0x10;
	v2 =	vld.idx.msk @p0 [tilespmem:v2+s24+$0x0], $0xffff;
	_ =	sdelay $0x3  }
0x134: {  	s23 =	sadd.s32 $0x1, s23;
	s24 =	simm.s32 @p0 $0xC800  }
0x135: {  	p1 =	sne.s32 s23, s12;
	[tilespmem:v1+s24+$0x0] =	vst.idx.add.f32.msk @p0 $0xffff, v2  }
0x136: {  	[hbm4b:s10+s14] =	stream.strided.scatter [tilespmem:s19], [sflag:$0x3], $0xC800, s21, s14, $0x38;
	[tilespmem:$0x1D000] =	vst v63  }
.Ltmp9:
0x137: {  	_ = 	snop;
	(pc) =	sbr.rel @p1 .LBB2_2-.Ltmp9, $4  }
.Ltmp10:
0x138: {  	_ = 	snop;
	(pc) =	sbr.rel @!p1 .LBB2_19-.Ltmp10, $4  }
0x139: {  	_ =	swait.ge [sflag:s22], $0xC800  }
0x13a: {  	[sflag:s22] =	ssyncset.done $0x0  }
0x13b: {  	[sflag:s22] =	ssyncadd.s32 $0xFFFF3800  }
0x13c: {  	_ = 	snop  }
.LBB2_11:
.Ltmp11:
0x13d: {  	_ = 	snop;
	(pc) =	sbr.rel .LBB2_18-.Ltmp11, $2  }
0x13e: {  	_ =	sdelay $0x2  }
0x13f: {  	v2 =	vmov v8;
	v1 =	vmov v10  }
.LBB2_13:
.Ltmp12:
0x140: {  	_ = 	snop;
	(pc) =	sbr.rel .LBB2_18-.Ltmp12, $2  }
0x141: {  	_ =	sdelay $0x2  }
0x142: {  	v2 =	vmov v9;
	v1 =	vmov v6  }
.LBB2_15:
.Ltmp13:
0x143: {  	_ = 	snop;
	(pc) =	sbr.rel .LBB2_18-.Ltmp13, $2  }
0x144: {  	_ =	sdelay $0x2  }
0x145: {  	v13 =	vmovc v7;
	v8 =	vmov v9;
	v10 =	vmov v6;
	v7 =	vmov v12  }
.Lfunc_end2:
_tile_overlayer_lowered:
.L_overlay_start_2:
0x146: {  	(tag) =	ssettag $0x2  }
0x147: {  	s0 =	rddreg [dreg:$0x0];
	s2 =	stileid.u32  }
0x148: {  	s1 =	rddreg [dreg:$0x1];
	p0 =	sne.s32 s2, $0x0  }
0x149: {  	s3 =	rddreg [dreg:$0x2];
	[bflag:$0x3] =	sbarrier.arrive $0xFFFF;
	s2 =	simm.s32 @!p0 $0x1C03  }
0x14a: {  	[timem:s3], [sflag:s2] =	dma.local @!p0 [hbm:s0], s1  }
0x14b: {  	s0 =	simm.s32 @!p0 $0x3  }
0x14c: {  	_ =	swait.ge @!p0 [sflag:s0], s1  }
0x14d: {  	s1 =	ssub.s32 @!p0 $0x0, s1;
	[sflag:s0] =	ssyncset.done @!p0 $0x0  }
0x14e: {  	[sflag:s0] =	ssyncadd.s32 @!p0 s1  }
0x14f: {  	[bflag:$0x3] =	sbarrier.arrive $0xFFFF  }
0x150: {  	_ =	shalt  }

</sc_bundles>
